<compile_context>
chip_gen: v7x
topology: tpu7x:2x2x1
jax: 0.10.2.dev20260603
libtpu: 0.0.44.dev20260713+nightly
codegen_flags: <defaults>
</compile_context>

<pallas_src>
import functools

import jax
import jax.numpy as jnp
from jax import lax
from jax.experimental import pallas as pl
from jax.experimental.pallas import tpu as pltpu
from jax.experimental.pallas import tpu_sc as plsc

N = 10000
E = 320000
D = 128

NC = 2
NS = 16
NW = NC * NS
CHUNK = 128
CPT0 = 80
CPT1 = 80
NCHP = NS * (CPT0 + CPT1)
EPAD = NCHP * CHUNK - E
NP = 10240
RPT = NP // NS
GJ = 16
L = 16


def _sc_body(src_hbm, dst_hbm, h_hbm, zagg_hbm, zdeg_hbm,
             agg_out, deg_out,
             agg_sh, srcg, dstg, rows0, rows1, deg_local,
             sem0, sem1, sem2, sem3):
    c = lax.axis_index("c")
    s = lax.axis_index("s")
    wid = c * NS + s
    start = jnp.where(c == 0, s * CPT0, NS * CPT0 + s * CPT1)
    ngroups = jnp.where(c == 0, CPT0 // GJ, CPT1 // GJ)
    row0 = s * RPT

    pltpu.sync_copy(zagg_hbm, rows0)
    pltpu.sync_copy(zagg_hbm, rows1)
    for r in range(RPT // CHUNK):
        buf = rows0 if r % 2 == 0 else rows1
        pltpu.sync_copy(buf, agg_sh.at[pl.ds(row0 + r * CHUNK, CHUNK)])
    pltpu.sync_copy(zdeg_hbm, deg_local)

    plsc.subcore_barrier()

    ones = jnp.ones((L,), jnp.float32)

    def _deg_add(jrow):
        for k in range(CHUNK // L):
            idx = dstg[jrow, pl.ds(k * L, L)]
            plsc.addupdate_scatter(deg_local, [idx], ones)

    def _group(g, _):
        pltpu.sync_copy(src_hbm.at[pl.ds(start + g * GJ, GJ)], srcg)
        pltpu.sync_copy(dst_hbm.at[pl.ds(start + g * GJ, GJ)], dstg)

        def _pair(p, _):
            j0 = 2 * p
            j1 = j0 + 1
            d0 = pltpu.async_copy(h_hbm.at[srcg.at[j0]], rows0, sem0)
            d1 = pltpu.async_copy(h_hbm.at[srcg.at[j1]], rows1, sem1)
            d0.wait()
            a0 = pltpu.async_copy(rows0, agg_sh.at[dstg.at[j0]], sem2,
                                  add=True)
            _deg_add(j0)
            d1.wait()
            a1 = pltpu.async_copy(rows1, agg_sh.at[dstg.at[j1]], sem3,
                                  add=True)
            _deg_add(j1)
            a0.wait()
            a1.wait()
            return 0

        return lax.fori_loop(0, GJ // 2, _pair, 0)

    lax.fori_loop(0, ngroups, _group, 0)

    plsc.subcore_barrier()

    for r in range(RPT // CHUNK):
        buf = rows0 if r % 2 == 0 else rows1
        pltpu.sync_copy(agg_sh.at[pl.ds(row0 + r * CHUNK, CHUNK)], buf)
        pltpu.sync_copy(buf, agg_out.at[c, pl.ds(row0 + r * CHUNK, CHUNK)])
    pltpu.sync_copy(deg_local, deg_out.at[wid])


@functools.cache
def _sc_agg():
  return pl.kernel(
    _sc_body,
    out_type=(
        jax.ShapeDtypeStruct((NC, NP, D), jnp.float32),
        jax.ShapeDtypeStruct((NW, NP), jnp.float32),
    ),
    mesh=plsc.VectorSubcoreMesh(core_axis_name="c", subcore_axis_name="s",
                                num_cores=NC, num_subcores=NS),
    compiler_params=pltpu.CompilerParams(needs_layout_passes=False),
    scratch_types=[
        pltpu.VMEM_SHARED((NP, D), jnp.float32),
        pltpu.VMEM((GJ, CHUNK), jnp.int32),
        pltpu.VMEM((GJ, CHUNK), jnp.int32),
        pltpu.VMEM((CHUNK, D), jnp.float32),
        pltpu.VMEM((CHUNK, D), jnp.float32),
        pltpu.VMEM((NP,), jnp.float32),
        pltpu.SemaphoreType.DMA,
        pltpu.SemaphoreType.DMA,
        pltpu.SemaphoreType.DMA,
        pltpu.SemaphoreType.DMA,
    ],
  )


def _tc_body(h_ref, agg_ref, deg_ref, ws_ref, wn_ref, b_ref, o_ref):
    h = h_ref[...]
    agg = agg_ref[0] + agg_ref[1]
    deg = jnp.sum(deg_ref[...], axis=0)[:, None]
    hn = agg / jnp.maximum(deg, 1.0)
    acc = jnp.dot(h, ws_ref[...], preferred_element_type=jnp.float32)
    acc = acc + jnp.dot(hn, wn_ref[...], preferred_element_type=jnp.float32)
    acc = acc + b_ref[...]
    o_ref[...] = h + jnp.maximum(acc, 0.0)


_TC_ROWS = 1024


def _tc_combine(h_pad, agg2, deg32, W_self, W_neigh, b2d):
    grid = (NP // _TC_ROWS,)
    return pl.pallas_call(
        _tc_body,
        grid=grid,
        in_specs=[
            pl.BlockSpec((_TC_ROWS, D), lambda i: (i, 0)),
            pl.BlockSpec((NC, _TC_ROWS, D), lambda i: (0, i, 0)),
            pl.BlockSpec((NW, _TC_ROWS), lambda i: (0, i)),
            pl.BlockSpec((D, D), lambda i: (0, 0)),
            pl.BlockSpec((D, D), lambda i: (0, 0)),
            pl.BlockSpec((1, D), lambda i: (0, 0)),
        ],
        out_specs=pl.BlockSpec((_TC_ROWS, D), lambda i: (i, 0)),
        out_shape=jax.ShapeDtypeStruct((NP, D), jnp.float32),
    )(h_pad, agg2, deg32, W_self, W_neigh, b2d)


@jax.jit
def kernel(h, edge_index, W_self, W_neigh, b):
    src = edge_index[0].astype(jnp.int32)
    dst = edge_index[1].astype(jnp.int32)
    pad_i = jnp.arange(EPAD, dtype=jnp.int32)
    src2d = jnp.concatenate(
        [src, pad_i % N]).reshape(NCHP, CHUNK)
    dst2d = jnp.concatenate(
        [dst, N + pad_i % (NP - N)]).reshape(NCHP, CHUNK)
    zagg = jnp.zeros((CHUNK, D), jnp.float32)
    zdeg = jnp.zeros((NP,), jnp.float32)
    agg2, deg32 = _sc_agg()(src2d, dst2d, h, zagg, zdeg)
    h_pad = jnp.concatenate([h, jnp.zeros((NP - N, D), jnp.float32)])
    out = _tc_combine(h_pad, agg2, deg32, W_self, W_neigh, b.reshape(1, D))
    return out[:N]

# --- scband reference (transcript-rebuilt; emitter-appended) ---
"""Pipeline reference for scband-graph-sage-layer-58609123721516 (READ-ONLY COPY).

The authoritative reference and input builder live on the scoring server;
editing this copy changes nothing except your own understanding.
"""

import jax, jax.numpy as jnp
import numpy as np

N = 10000
E = 320000
D = 128

def setup_inputs(seed: int = 0) -> dict:
    key = jax.random.key(seed)
    k1, k2, k3, k4 = jax.random.split(key, 4)
    h = jax.random.normal(k1, (N, D), dtype=jnp.float32)
    edge_index = jax.random.randint(k2, (2, E), 0, N)
    W_self = jax.random.normal(k3, (D, D), dtype=jnp.float32) * 0.05
    W_neigh = jax.random.normal(k4, (D, D), dtype=jnp.float32) * 0.05
    b = jnp.zeros((D,), dtype=jnp.float32)
    return {"h": h, "edge_index": edge_index, "W_self": W_self, "W_neigh": W_neigh, "b": b}

def reference(h, edge_index, W_self, W_neigh, b):
    # DGL SAGEConv with aggregator_type='mean', feat_drop=0.0, activation=relu
    src = edge_index[0]
    dst = edge_index[1]
    # message passing: copy_u + mean reduce over incoming edges
    msgs = jnp.take(h, src, axis=0)                                   # gather [E, D]
    agg_sum = jax.ops.segment_sum(msgs, dst, num_segments=N)          # scatter-add [N, D]
    deg = jax.ops.segment_sum(jnp.ones((E,), dtype=jnp.float32), dst, num_segments=N)
    h_neigh = agg_sum / jnp.maximum(deg, 1.0)[:, None]
    # rst = fc_self(h_self) + fc_neigh(h_neigh) + bias
    out = h @ W_self + h_neigh @ W_neigh + b
    # activation
    out = jax.nn.relu(out)
    # graph_norm=False, batch_norm=False, residual=True (in_feats==out_feats)
    out = h + out
    return out

if __name__ == "__main__":
    import jax
    _d = setup_inputs()
    print(jax.jit(kernel)(*tuple(_d.values())))

</pallas_src>

<mosaic_0001>
#map = affine_map<(d0, d1) -> (0, 0)>
#map1 = affine_map<(d0, d1) -> (0)>
#map2 = affine_map<(d0, d1) -> (0, 0, 0)>
module attributes {stable_mosaic.version = 14 : i64} {
  func.func @_sc_body(%arg0: i32, %arg1: i32, %arg2: memref<2560x128xi32, #tpu.memory_space<hbm>>, %arg3: memref<2560x128xi32, #tpu.memory_space<hbm>>, %arg4: memref<10000x128xf32, #tpu.memory_space<hbm>>, %arg5: memref<128x128xf32, #tpu.memory_space<hbm>>, %arg6: memref<10240xf32, #tpu.memory_space<hbm>>, %arg7: memref<2x10240x128xf32, #tpu.memory_space<hbm>>, %arg8: memref<32x10240xf32, #tpu.memory_space<hbm>>, %arg9: memref<10240x128xf32, #tpu.memory_space<vmem_shared>>, %arg10: memref<16x128xi32, #tpu.memory_space<vmem>>, %arg11: memref<16x128xi32, #tpu.memory_space<vmem>>, %arg12: memref<128x128xf32, #tpu.memory_space<vmem>>, %arg13: memref<128x128xf32, #tpu.memory_space<vmem>>, %arg14: memref<10240xf32, #tpu.memory_space<vmem>>, %arg15: memref<!tpu.dma_semaphore, #tpu.memory_space<semaphore_mem>>, %arg16: memref<!tpu.dma_semaphore, #tpu.memory_space<semaphore_mem>>, %arg17: memref<!tpu.dma_semaphore, #tpu.memory_space<semaphore_mem>>, %arg18: memref<!tpu.dma_semaphore, #tpu.memory_space<semaphore_mem>>) attributes {dimension_semantics = [#tpu.dimension_semantics<core_parallel>, #tpu.dimension_semantics<subcore_parallel>], iteration_bounds = array<i64: 2, 16>, scalar_prefetch = 0 : i64, scratch_operands = 10 : i64, tpu.core_type = #tpu.core_type<sc_vector_subcore>, window_params = [{transform_indices = #map}, {transform_indices = #map}, {transform_indices = #map}, {transform_indices = #map}, {transform_indices = #map1}, {transform_indices = #map2}, {transform_indices = #map}]} {
    %mul3A = arith.constant 16 : i32
    %mul3A_0 = arith.muli %arg0, %mul3A : i32
    %add3A = arith.addi %mul3A_0, %arg1 : i32
    %eq3A = arith.constant 0 : i32
    %eq3A_1 = arith.cmpi eq, %arg0, %eq3A : i32
    %mul3A_2 = arith.constant 80 : i32
    %mul3A_3 = arith.muli %arg1, %mul3A_2 : i32
    %mul3A_4 = arith.constant 80 : i32
    %mul3A_5 = arith.muli %arg1, %mul3A_4 : i32
    %add3A_6 = arith.constant 1280 : i32
    %add3A_7 = arith.addi %add3A_6, %mul3A_5 : i32
    %select_n3A = arith.select %eq3A_1, %mul3A_3, %add3A_7 : i32
    %eq3A_8 = arith.constant 0 : i32
    %eq3A_9 = arith.cmpi eq, %arg0, %eq3A_8 : i32
    %jit3A = arith.constant 5 : i32
    %jit3A_10 = arith.constant 5 : i32
    %select_n3A_11 = arith.select %eq3A_9, %jit3A, %jit3A_10 : i32
    %mul3A_12 = arith.constant 640 : i32
    %mul3A_13 = arith.muli %arg1, %mul3A_12 : i32
    "tpu.region"() ({
      %run_scoped3A = tpu.sem_alloc : memref<!tpu.dma_semaphore, #tpu.memory_space<semaphore_mem>>
      tpu.enqueue_dma source(%arg5 : memref<128x128xf32, #tpu.memory_space<hbm>>) target(%arg12 : memref<128x128xf32, #tpu.memory_space<vmem>>) target_semaphore(%run_scoped3A : memref<!tpu.dma_semaphore, #tpu.memory_space<semaphore_mem>>)
      tpu.wait_dma2 semaphore(%run_scoped3A : memref<!tpu.dma_semaphore, #tpu.memory_space<semaphore_mem>>) src(%arg5 : memref<128x128xf32, #tpu.memory_space<hbm>>) dst(%arg12 : memref<128x128xf32, #tpu.memory_space<vmem>>)
      tpu.yield
    }) : () -> ()
    "tpu.region"() ({
      %run_scoped3A = tpu.sem_alloc : memref<!tpu.dma_semaphore, #tpu.memory_space<semaphore_mem>>
      tpu.enqueue_dma source(%arg5 : memref<128x128xf32, #tpu.memory_space<hbm>>) target(%arg13 : memref<128x128xf32, #tpu.memory_space<vmem>>) target_semaphore(%run_scoped3A : memref<!tpu.dma_semaphore, #tpu.memory_space<semaphore_mem>>)
      tpu.wait_dma2 semaphore(%run_scoped3A : memref<!tpu.dma_semaphore, #tpu.memory_space<semaphore_mem>>) src(%arg5 : memref<128x128xf32, #tpu.memory_space<hbm>>) dst(%arg13 : memref<128x128xf32, #tpu.memory_space<vmem>>)
      tpu.yield
    }) : () -> ()
    %add3A_14 = arith.constant 0 : i32
    %add3A_15 = arith.addi %mul3A_13, %add3A_14 : i32
    "tpu.region"() ({
      %run_scoped3A = tpu.sem_alloc : memref<!tpu.dma_semaphore, #tpu.memory_space<semaphore_mem>>
      %dma_start3A = arith.constant 0 : i32
      %dma_start3A_57 = tpu.memref_slice %arg9[%add3A_15, %dma_start3A] : memref<10240x128xf32, #tpu.memory_space<vmem_shared>> -> memref<128x128xf32, #tpu.memory_space<vmem_shared>>
      %dma_start3A_58 = arith.constant 0 : i32
      %dma_start3A_59 = tpu.memref_slice %arg9[%add3A_15, %dma_start3A_58] : memref<10240x128xf32, #tpu.memory_space<vmem_shared>> -> memref<128x128xf32, #tpu.memory_space<vmem_shared>>
      tpu.enqueue_dma source(%arg12 : memref<128x128xf32, #tpu.memory_space<vmem>>) target(%dma_start3A_59 : memref<128x128xf32, #tpu.memory_space<vmem_shared>>) target_semaphore(%run_scoped3A : memref<!tpu.dma_semaphore, #tpu.memory_space<semaphore_mem>>)
      %dma_wait3A = arith.constant 0 : i32
      %dma_wait3A_60 = tpu.memref_slice %arg9[%add3A_15, %dma_wait3A] : memref<10240x128xf32, #tpu.memory_space<vmem_shared>> -> memref<128x128xf32, #tpu.memory_space<vmem_shared>>
      %dma_wait3A_61 = arith.constant 0 : i32
      %dma_wait3A_62 = tpu.memref_slice %arg9[%add3A_15, %dma_wait3A_61] : memref<10240x128xf32, #tpu.memory_space<vmem_shared>> -> memref<128x128xf32, #tpu.memory_space<vmem_shared>>
      tpu.wait_dma2 semaphore(%run_scoped3A : memref<!tpu.dma_semaphore, #tpu.memory_space<semaphore_mem>>) src(%arg12 : memref<128x128xf32, #tpu.memory_space<vmem>>) dst(%dma_wait3A_62 : memref<128x128xf32, #tpu.memory_space<vmem_shared>>)
      tpu.yield
    }) : () -> ()
    %add3A_16 = arith.constant 128 : i32
    %add3A_17 = arith.addi %mul3A_13, %add3A_16 : i32
    "tpu.region"() ({
      %run_scoped3A = tpu.sem_alloc : memref<!tpu.dma_semaphore, #tpu.memory_space<semaphore_mem>>
      %dma_start3A = arith.constant 0 : i32
      %dma_start3A_57 = tpu.memref_slice %arg9[%add3A_17, %dma_start3A] : memref<10240x128xf32, #tpu.memory_space<vmem_shared>> -> memref<128x128xf32, #tpu.memory_space<vmem_shared>>
      %dma_start3A_58 = arith.constant 0 : i32
      %dma_start3A_59 = tpu.memref_slice %arg9[%add3A_17, %dma_start3A_58] : memref<10240x128xf32, #tpu.memory_space<vmem_shared>> -> memref<128x128xf32, #tpu.memory_space<vmem_shared>>
      tpu.enqueue_dma source(%arg13 : memref<128x128xf32, #tpu.memory_space<vmem>>) target(%dma_start3A_59 : memref<128x128xf32, #tpu.memory_space<vmem_shared>>) target_semaphore(%run_scoped3A : memref<!tpu.dma_semaphore, #tpu.memory_space<semaphore_mem>>)
      %dma_wait3A = arith.constant 0 : i32
      %dma_wait3A_60 = tpu.memref_slice %arg9[%add3A_17, %dma_wait3A] : memref<10240x128xf32, #tpu.memory_space<vmem_shared>> -> memref<128x128xf32, #tpu.memory_space<vmem_shared>>
      %dma_wait3A_61 = arith.constant 0 : i32
      %dma_wait3A_62 = tpu.memref_slice %arg9[%add3A_17, %dma_wait3A_61] : memref<10240x128xf32, #tpu.memory_space<vmem_shared>> -> memref<128x128xf32, #tpu.memory_space<vmem_shared>>
      tpu.wait_dma2 semaphore(%run_scoped3A : memref<!tpu.dma_semaphore, #tpu.memory_space<semaphore_mem>>) src(%arg13 : memref<128x128xf32, #tpu.memory_space<vmem>>) dst(%dma_wait3A_62 : memref<128x128xf32, #tpu.memory_space<vmem_shared>>)
      tpu.yield
    }) : () -> ()
    %add3A_18 = arith.constant 256 : i32
    %add3A_19 = arith.addi %mul3A_13, %add3A_18 : i32
    "tpu.region"() ({
      %run_scoped3A = tpu.sem_alloc : memref<!tpu.dma_semaphore, #tpu.memory_space<semaphore_mem>>
      %dma_start3A = arith.constant 0 : i32
      %dma_start3A_57 = tpu.memref_slice %arg9[%add3A_19, %dma_start3A] : memref<10240x128xf32, #tpu.memory_space<vmem_shared>> -> memref<128x128xf32, #tpu.memory_space<vmem_shared>>
      %dma_start3A_58 = arith.constant 0 : i32
      %dma_start3A_59 = tpu.memref_slice %arg9[%add3A_19, %dma_start3A_58] : memref<10240x128xf32, #tpu.memory_space<vmem_shared>> -> memref<128x128xf32, #tpu.memory_space<vmem_shared>>
      tpu.enqueue_dma source(%arg12 : memref<128x128xf32, #tpu.memory_space<vmem>>) target(%dma_start3A_59 : memref<128x128xf32, #tpu.memory_space<vmem_shared>>) target_semaphore(%run_scoped3A : memref<!tpu.dma_semaphore, #tpu.memory_space<semaphore_mem>>)
      %dma_wait3A = arith.constant 0 : i32
      %dma_wait3A_60 = tpu.memref_slice %arg9[%add3A_19, %dma_wait3A] : memref<10240x128xf32, #tpu.memory_space<vmem_shared>> -> memref<128x128xf32, #tpu.memory_space<vmem_shared>>
      %dma_wait3A_61 = arith.constant 0 : i32
      %dma_wait3A_62 = tpu.memref_slice %arg9[%add3A_19, %dma_wait3A_61] : memref<10240x128xf32, #tpu.memory_space<vmem_shared>> -> memref<128x128xf32, #tpu.memory_space<vmem_shared>>
      tpu.wait_dma2 semaphore(%run_scoped3A : memref<!tpu.dma_semaphore, #tpu.memory_space<semaphore_mem>>) src(%arg12 : memref<128x128xf32, #tpu.memory_space<vmem>>) dst(%dma_wait3A_62 : memref<128x128xf32, #tpu.memory_space<vmem_shared>>)
      tpu.yield
    }) : () -> ()
    %add3A_20 = arith.constant 384 : i32
    %add3A_21 = arith.addi %mul3A_13, %add3A_20 : i32
    "tpu.region"() ({
      %run_scoped3A = tpu.sem_alloc : memref<!tpu.dma_semaphore, #tpu.memory_space<semaphore_mem>>
      %dma_start3A = arith.constant 0 : i32
      %dma_start3A_57 = tpu.memref_slice %arg9[%add3A_21, %dma_start3A] : memref<10240x128xf32, #tpu.memory_space<vmem_shared>> -> memref<128x128xf32, #tpu.memory_space<vmem_shared>>
      %dma_start3A_58 = arith.constant 0 : i32
      %dma_start3A_59 = tpu.memref_slice %arg9[%add3A_21, %dma_start3A_58] : memref<10240x128xf32, #tpu.memory_space<vmem_shared>> -> memref<128x128xf32, #tpu.memory_space<vmem_shared>>
      tpu.enqueue_dma source(%arg13 : memref<128x128xf32, #tpu.memory_space<vmem>>) target(%dma_start3A_59 : memref<128x128xf32, #tpu.memory_space<vmem_shared>>) target_semaphore(%run_scoped3A : memref<!tpu.dma_semaphore, #tpu.memory_space<semaphore_mem>>)
      %dma_wait3A = arith.constant 0 : i32
      %dma_wait3A_60 = tpu.memref_slice %arg9[%add3A_21, %dma_wait3A] : memref<10240x128xf32, #tpu.memory_space<vmem_shared>> -> memref<128x128xf32, #tpu.memory_space<vmem_shared>>
      %dma_wait3A_61 = arith.constant 0 : i32
      %dma_wait3A_62 = tpu.memref_slice %arg9[%add3A_21, %dma_wait3A_61] : memref<10240x128xf32, #tpu.memory_space<vmem_shared>> -> memref<128x128xf32, #tpu.memory_space<vmem_shared>>
      tpu.wait_dma2 semaphore(%run_scoped3A : memref<!tpu.dma_semaphore, #tpu.memory_space<semaphore_mem>>) src(%arg13 : memref<128x128xf32, #tpu.memory_space<vmem>>) dst(%dma_wait3A_62 : memref<128x128xf32, #tpu.memory_space<vmem_shared>>)
      tpu.yield
    }) : () -> ()
    %add3A_22 = arith.constant 512 : i32
    %add3A_23 = arith.addi %mul3A_13, %add3A_22 : i32
    "tpu.region"() ({
      %run_scoped3A = tpu.sem_alloc : memref<!tpu.dma_semaphore, #tpu.memory_space<semaphore_mem>>
      %dma_start3A = arith.constant 0 : i32
      %dma_start3A_57 = tpu.memref_slice %arg9[%add3A_23, %dma_start3A] : memref<10240x128xf32, #tpu.memory_space<vmem_shared>> -> memref<128x128xf32, #tpu.memory_space<vmem_shared>>
      %dma_start3A_58 = arith.constant 0 : i32
      %dma_start3A_59 = tpu.memref_slice %arg9[%add3A_23, %dma_start3A_58] : memref<10240x128xf32, #tpu.memory_space<vmem_shared>> -> memref<128x128xf32, #tpu.memory_space<vmem_shared>>
      tpu.enqueue_dma source(%arg12 : memref<128x128xf32, #tpu.memory_space<vmem>>) target(%dma_start3A_59 : memref<128x128xf32, #tpu.memory_space<vmem_shared>>) target_semaphore(%run_scoped3A : memref<!tpu.dma_semaphore, #tpu.memory_space<semaphore_mem>>)
      %dma_wait3A = arith.constant 0 : i32
      %dma_wait3A_60 = tpu.memref_slice %arg9[%add3A_23, %dma_wait3A] : memref<10240x128xf32, #tpu.memory_space<vmem_shared>> -> memref<128x128xf32, #tpu.memory_space<vmem_shared>>
      %dma_wait3A_61 = arith.constant 0 : i32
      %dma_wait3A_62 = tpu.memref_slice %arg9[%add3A_23, %dma_wait3A_61] : memref<10240x128xf32, #tpu.memory_space<vmem_shared>> -> memref<128x128xf32, #tpu.memory_space<vmem_shared>>
      tpu.wait_dma2 semaphore(%run_scoped3A : memref<!tpu.dma_semaphore, #tpu.memory_space<semaphore_mem>>) src(%arg12 : memref<128x128xf32, #tpu.memory_space<vmem>>) dst(%dma_wait3A_62 : memref<128x128xf32, #tpu.memory_space<vmem_shared>>)
      tpu.yield
    }) : () -> ()
    "tpu.region"() ({
      %run_scoped3A = tpu.sem_alloc : memref<!tpu.dma_semaphore, #tpu.memory_space<semaphore_mem>>
      tpu.enqueue_dma source(%arg6 : memref<10240xf32, #tpu.memory_space<hbm>>) target(%arg14 : memref<10240xf32, #tpu.memory_space<vmem>>) target_semaphore(%run_scoped3A : memref<!tpu.dma_semaphore, #tpu.memory_space<semaphore_mem>>)
      tpu.wait_dma2 semaphore(%run_scoped3A : memref<!tpu.dma_semaphore, #tpu.memory_space<semaphore_mem>>) src(%arg6 : memref<10240xf32, #tpu.memory_space<hbm>>) dst(%arg14 : memref<10240xf32, #tpu.memory_space<vmem>>)
      tpu.yield
    }) : () -> ()
    %barrier3A = arith.constant 0 : index
    tpu.barrier barrier_id(%barrier3A)
    %broadcast_in_dim3A = arith.constant 1.000000e+00 : f32
    %broadcast_in_dim3A_24 = vector.broadcast %broadcast_in_dim3A : f32 to vector<16xf32>
    %while3A = arith.constant 0 : i32
    %while3A_25 = arith.constant 0 : i32
    %while3A_26 = arith.subi %select_n3A_11, %while3A : i32
    %while3A_27 = arith.addi %while3A, %while3A_26 : i32
    %while3A_28 = arith.constant 1 : i32
    %while3A_29 = arith.divsi %while3A_26, %while3A_28 : i32
    %while3A_30 = arith.muli %while3A_29, %while3A_28 : i32
    %while3A_31 = arith.addi %while3A, %while3A_30 : i32
    %while3A_32 = arith.constant 1 : i32
    %while3A_33 = scf.for %while3A_57 = %while3A to %while3A_31 step %while3A_32 iter_args(%while3A_58 = %while3A_25) -> (i32)  : i32 {
      %mul3A_59 = arith.constant 16 : i32
      %mul3A_60 = arith.muli %while3A_57, %mul3A_59 : i32
      %add3A_61 = arith.addi %select_n3A, %mul3A_60 : i32
      "tpu.region"() ({
        %run_scoped3A = tpu.sem_alloc : memref<!tpu.dma_semaphore, #tpu.memory_space<semaphore_mem>>
        %dma_start3A = arith.constant 0 : i32
        %dma_start3A_71 = tpu.memref_slice %arg2[%add3A_61, %dma_start3A] : memref<2560x128xi32, #tpu.memory_space<hbm>> -> memref<16x128xi32, #tpu.memory_space<hbm>>
        %dma_start3A_72 = arith.constant 0 : i32
        %dma_start3A_73 = tpu.memref_slice %arg2[%add3A_61, %dma_start3A_72] : memref<2560x128xi32, #tpu.memory_space<hbm>> -> memref<16x128xi32, #tpu.memory_space<hbm>>
        tpu.enqueue_dma source(%dma_start3A_73 : memref<16x128xi32, #tpu.memory_space<hbm>>) target(%arg10 : memref<16x128xi32, #tpu.memory_space<vmem>>) target_semaphore(%run_scoped3A : memref<!tpu.dma_semaphore, #tpu.memory_space<semaphore_mem>>)
        %dma_wait3A = arith.constant 0 : i32
        %dma_wait3A_74 = tpu.memref_slice %arg2[%add3A_61, %dma_wait3A] : memref<2560x128xi32, #tpu.memory_space<hbm>> -> memref<16x128xi32, #tpu.memory_space<hbm>>
        %dma_wait3A_75 = arith.constant 0 : i32
        %dma_wait3A_76 = tpu.memref_slice %arg2[%add3A_61, %dma_wait3A_75] : memref<2560x128xi32, #tpu.memory_space<hbm>> -> memref<16x128xi32, #tpu.memory_space<hbm>>
        tpu.wait_dma2 semaphore(%run_scoped3A : memref<!tpu.dma_semaphore, #tpu.memory_space<semaphore_mem>>) src(%dma_wait3A_76 : memref<16x128xi32, #tpu.memory_space<hbm>>) dst(%arg10 : memref<16x128xi32, #tpu.memory_space<vmem>>)
        tpu.yield
      }) : () -> ()
      %mul3A_62 = arith.constant 16 : i32
      %mul3A_63 = arith.muli %while3A_57, %mul3A_62 : i32
      %add3A_64 = arith.addi %select_n3A, %mul3A_63 : i32
      "tpu.region"() ({
        %run_scoped3A = tpu.sem_alloc : memref<!tpu.dma_semaphore, #tpu.memory_space<semaphore_mem>>
        %dma_start3A = arith.constant 0 : i32
        %dma_start3A_71 = tpu.memref_slice %arg3[%add3A_64, %dma_start3A] : memref<2560x128xi32, #tpu.memory_space<hbm>> -> memref<16x128xi32, #tpu.memory_space<hbm>>
        %dma_start3A_72 = arith.constant 0 : i32
        %dma_start3A_73 = tpu.memref_slice %arg3[%add3A_64, %dma_start3A_72] : memref<2560x128xi32, #tpu.memory_space<hbm>> -> memref<16x128xi32, #tpu.memory_space<hbm>>
        tpu.enqueue_dma source(%dma_start3A_73 : memref<16x128xi32, #tpu.memory_space<hbm>>) target(%arg11 : memref<16x128xi32, #tpu.memory_space<vmem>>) target_semaphore(%run_scoped3A : memref<!tpu.dma_semaphore, #tpu.memory_space<semaphore_mem>>)
        %dma_wait3A = arith.constant 0 : i32
        %dma_wait3A_74 = tpu.memref_slice %arg3[%add3A_64, %dma_wait3A] : memref<2560x128xi32, #tpu.memory_space<hbm>> -> memref<16x128xi32, #tpu.memory_space<hbm>>
        %dma_wait3A_75 = arith.constant 0 : i32
        %dma_wait3A_76 = tpu.memref_slice %arg3[%add3A_64, %dma_wait3A_75] : memref<2560x128xi32, #tpu.memory_space<hbm>> -> memref<16x128xi32, #tpu.memory_space<hbm>>
        tpu.wait_dma2 semaphore(%run_scoped3A : memref<!tpu.dma_semaphore, #tpu.memory_space<semaphore_mem>>) src(%dma_wait3A_76 : memref<16x128xi32, #tpu.memory_space<hbm>>) dst(%arg11 : memref<16x128xi32, #tpu.memory_space<vmem>>)
        tpu.yield
      }) : () -> ()
      %scan3A = arith.constant 0 : i32
      %scan3A_65 = arith.constant 0 : i32
      %scan3A_66 = arith.constant 8 : i32
      %scan3A_67 = arith.addi %scan3A_65, %scan3A_66 : i32
      %scan3A_68 = arith.constant 1 : i32
      %scan3A_69 = scf.for %scan3A_71 = %scan3A_65 to %scan3A_67 step %scan3A_68 iter_args(%scan3A_72 = %scan3A) -> (i32)  : i32 {
        %mul3A_73 = arith.constant 2 : i32
        %mul3A_74 = arith.muli %mul3A_73, %scan3A_71 : i32
        %add3A_75 = arith.constant 1 : i32
        %add3A_76 = arith.addi %mul3A_74, %add3A_75 : i32
        %dma_start3A = arith.constant 0 : i32
        %dma_start3A_77 = tpu.memref_slice %arg10[%mul3A_74, %dma_start3A] : memref<16x128xi32, #tpu.memory_space<vmem>> -> memref<1x128xi32, #tpu.memory_space<vmem>>
        %dma_start3A_78 = tpu.memref_squeeze %dma_start3A_77 : memref<1x128xi32, #tpu.memory_space<vmem>> -> memref<128xi32, #tpu.memory_space<vmem>>
        %dma_start3A_79 = arith.constant 0 : i32
        %dma_start3A_80 = arith.constant 0 : i32
        %dma_start3A_81 = tpu.memref_slice %arg4[%dma_start3A_79, %dma_start3A_80] : memref<10000x128xf32, #tpu.memory_space<hbm>> -> memref<10000x128xf32, #tpu.memory_space<hbm>>
        tpu.enqueue_indirect_dma source(%dma_start3A_81 : memref<10000x128xf32, #tpu.memory_space<hbm>>) target(%arg12 : memref<128x128xf32, #tpu.memory_space<vmem>>) offsets(%dma_start3A_78 : memref<128xi32, #tpu.memory_space<vmem>>) semaphore(%arg15 : memref<!tpu.dma_semaphore, #tpu.memory_space<semaphore_mem>>)
        %dma_start3A_82 = arith.constant 0 : i32
        %dma_start3A_83 = tpu.memref_slice %arg10[%add3A_76, %dma_start3A_82] : memref<16x128xi32, #tpu.memory_space<vmem>> -> memref<1x128xi32, #tpu.memory_space<vmem>>
        %dma_start3A_84 = tpu.memref_squeeze %dma_start3A_83 : memref<1x128xi32, #tpu.memory_space<vmem>> -> memref<128xi32, #tpu.memory_space<vmem>>
        %dma_start3A_85 = arith.constant 0 : i32
        %dma_start3A_86 = arith.constant 0 : i32
        %dma_start3A_87 = tpu.memref_slice %arg4[%dma_start3A_85, %dma_start3A_86] : memref<10000x128xf32, #tpu.memory_space<hbm>> -> memref<10000x128xf32, #tpu.memory_space<hbm>>
        tpu.enqueue_indirect_dma source(%dma_start3A_87 : memref<10000x128xf32, #tpu.memory_space<hbm>>) target(%arg13 : memref<128x128xf32, #tpu.memory_space<vmem>>) offsets(%dma_start3A_84 : memref<128xi32, #tpu.memory_space<vmem>>) semaphore(%arg16 : memref<!tpu.dma_semaphore, #tpu.memory_space<semaphore_mem>>)
        %dma_wait3A = arith.constant 0 : i32
        %dma_wait3A_88 = tpu.memref_slice %arg10[%mul3A_74, %dma_wait3A] : memref<16x128xi32, #tpu.memory_space<vmem>> -> memref<1x128xi32, #tpu.memory_space<vmem>>
        %dma_wait3A_89 = tpu.memref_squeeze %dma_wait3A_88 : memref<1x128xi32, #tpu.memory_space<vmem>> -> memref<128xi32, #tpu.memory_space<vmem>>
        %dma_wait3A_90 = arith.constant 0 : i32
        %dma_wait3A_91 = arith.constant 0 : i32
        %dma_wait3A_92 = tpu.memref_slice %arg4[%dma_wait3A_90, %dma_wait3A_91] : memref<10000x128xf32, #tpu.memory_space<hbm>> -> memref<10000x128xf32, #tpu.memory_space<hbm>>
        tpu.wait_indirect_dma semaphore(%arg15 : memref<!tpu.dma_semaphore, #tpu.memory_space<semaphore_mem>>) src(%dma_wait3A_92 : memref<10000x128xf32, #tpu.memory_space<hbm>>) dst(%arg12 : memref<128x128xf32, #tpu.memory_space<vmem>>)
        %dma_start3A_93 = arith.constant 0 : i32
        %dma_start3A_94 = tpu.memref_slice %arg11[%mul3A_74, %dma_start3A_93] : memref<16x128xi32, #tpu.memory_space<vmem>> -> memref<1x128xi32, #tpu.memory_space<vmem>>
        %dma_start3A_95 = tpu.memref_squeeze %dma_start3A_94 : memref<1x128xi32, #tpu.memory_space<vmem>> -> memref<128xi32, #tpu.memory_space<vmem>>
        %dma_start3A_96 = arith.constant 0 : i32
        %dma_start3A_97 = arith.constant 0 : i32
        %dma_start3A_98 = tpu.memref_slice %arg9[%dma_start3A_96, %dma_start3A_97] : memref<10240x128xf32, #tpu.memory_space<vmem_shared>> -> memref<10240x128xf32, #tpu.memory_space<vmem_shared>>
        tpu.enqueue_indirect_dma source(%arg12 : memref<128x128xf32, #tpu.memory_space<vmem>>) target(%dma_start3A_98 : memref<10240x128xf32, #tpu.memory_space<vmem_shared>>) offsets(%dma_start3A_95 : memref<128xi32, #tpu.memory_space<vmem>>) semaphore(%arg17 : memref<!tpu.dma_semaphore, #tpu.memory_space<semaphore_mem>>) {add = true}
        %get3A = arith.index_cast %mul3A_74 : i32 to index
        %get3A_99 = arith.constant 0 : index
        %get3A_100 = tpu.vector_load %arg11[%get3A, %get3A_99] {strides = array<i32>} : memref<16x128xi32, #tpu.memory_space<vmem>>, vector<16xi32>,
        tpu.vector_store_idx %arg14[%get3A_100], %broadcast_in_dim3A_24 {add = true} : memref<10240xf32, #tpu.memory_space<vmem>>[vector<16xi32>], vector<16xf32>,
        %get3A_101 = arith.index_cast %mul3A_74 : i32 to index
        %get3A_102 = arith.constant 16 : index
        %get3A_103 = tpu.vector_load %arg11[%get3A_101, %get3A_102] {strides = array<i32>} : memref<16x128xi32, #tpu.memory_space<vmem>>, vector<16xi32>,
        tpu.vector_store_idx %arg14[%get3A_103], %broadcast_in_dim3A_24 {add = true} : memref<10240xf32, #tpu.memory_space<vmem>>[vector<16xi32>], vector<16xf32>,
        %get3A_104 = arith.index_cast %mul3A_74 : i32 to index
        %get3A_105 = arith.constant 32 : index
        %get3A_106 = tpu.vector_load %arg11[%get3A_104, %get3A_105] {strides = array<i32>} : memref<16x128xi32, #tpu.memory_space<vmem>>, vector<16xi32>,
        tpu.vector_store_idx %arg14[%get3A_106], %broadcast_in_dim3A_24 {add = true} : memref<10240xf32, #tpu.memory_space<vmem>>[vector<16xi32>], vector<16xf32>,
        %get3A_107 = arith.index_cast %mul3A_74 : i32 to index
        %get3A_108 = arith.constant 48 : index
        %get3A_109 = tpu.vector_load %arg11[%get3A_107, %get3A_108] {strides = array<i32>} : memref<16x128xi32, #tpu.memory_space<vmem>>, vector<16xi32>,
        tpu.vector_store_idx %arg14[%get3A_109], %broadcast_in_dim3A_24 {add = true} : memref<10240xf32, #tpu.memory_space<vmem>>[vector<16xi32>], vector<16xf32>,
        %get3A_110 = arith.index_cast %mul3A_74 : i32 to index
        %get3A_111 = arith.constant 64 : index
        %get3A_112 = tpu.vector_load %arg11[%get3A_110, %get3A_111] {strides = array<i32>} : memref<16x128xi32, #tpu.memory_space<vmem>>, vector<16xi32>,
        tpu.vector_store_idx %arg14[%get3A_112], %broadcast_in_dim3A_24 {add = true} : memref<10240xf32, #tpu.memory_space<vmem>>[vector<16xi32>], vector<16xf32>,
        %get3A_113 = arith.index_cast %mul3A_74 : i32 to index
        %get3A_114 = arith.constant 80 : index
        %get3A_115 = tpu.vector_load %arg11[%get3A_113, %get3A_114] {strides = array<i32>} : memref<16x128xi32, #tpu.memory_space<vmem>>, vector<16xi32>,
        tpu.vector_store_idx %arg14[%get3A_115], %broadcast_in_dim3A_24 {add = true} : memref<10240xf32, #tpu.memory_space<vmem>>[vector<16xi32>], vector<16xf32>,
        %get3A_116 = arith.index_cast %mul3A_74 : i32 to index
        %get3A_117 = arith.constant 96 : index
        %get3A_118 = tpu.vector_load %arg11[%get3A_116, %get3A_117] {strides = array<i32>} : memref<16x128xi32, #tpu.memory_space<vmem>>, vector<16xi32>,
        tpu.vector_store_idx %arg14[%get3A_118], %broadcast_in_dim3A_24 {add = true} : memref<10240xf32, #tpu.memory_space<vmem>>[vector<16xi32>], vector<16xf32>,
        %get3A_119 = arith.index_cast %mul3A_74 : i32 to index
        %get3A_120 = arith.constant 112 : index
        %get3A_121 = tpu.vector_load %arg11[%get3A_119, %get3A_120] {strides = array<i32>} : memref<16x128xi32, #tpu.memory_space<vmem>>, vector<16xi32>,
        tpu.vector_store_idx %arg14[%get3A_121], %broadcast_in_dim3A_24 {add = true} : memref<10240xf32, #tpu.memory_space<vmem>>[vector<16xi32>], vector<16xf32>,
        %dma_wait3A_122 = arith.constant 0 : i32
        %dma_wait3A_123 = tpu.memref_slice %arg10[%add3A_76, %dma_wait3A_122] : memref<16x128xi32, #tpu.memory_space<vmem>> -> memref<1x128xi32, #tpu.memory_space<vmem>>
        %dma_wait3A_124 = tpu.memref_squeeze %dma_wait3A_123 : memref<1x128xi32, #tpu.memory_space<vmem>> -> memref<128xi32, #tpu.memory_space<vmem>>
        %dma_wait3A_125 = arith.constant 0 : i32
        %dma_wait3A_126 = arith.constant 0 : i32
        %dma_wait3A_127 = tpu.memref_slice %arg4[%dma_wait3A_125, %dma_wait3A_126] : memref<10000x128xf32, #tpu.memory_space<hbm>> -> memref<10000x128xf32, #tpu.memory_space<hbm>>
        tpu.wait_indirect_dma semaphore(%arg16 : memref<!tpu.dma_semaphore, #tpu.memory_space<semaphore_mem>>) src(%dma_wait3A_127 : memref<10000x128xf32, #tpu.memory_space<hbm>>) dst(%arg13 : memref<128x128xf32, #tpu.memory_space<vmem>>)
        %dma_start3A_128 = arith.constant 0 : i32
        %dma_start3A_129 = tpu.memref_slice %arg11[%add3A_76, %dma_start3A_128] : memref<16x128xi32, #tpu.memory_space<vmem>> -> memref<1x128xi32, #tpu.memory_space<vmem>>
        %dma_start3A_130 = tpu.memref_squeeze %dma_start3A_129 : memref<1x128xi32, #tpu.memory_space<vmem>> -> memref<128xi32, #tpu.memory_space<vmem>>
        %dma_start3A_131 = arith.constant 0 : i32
        %dma_start3A_132 = arith.constant 0 : i32
        %dma_start3A_133 = tpu.memref_slice %arg9[%dma_start3A_131, %dma_start3A_132] : memref<10240x128xf32, #tpu.memory_space<vmem_shared>> -> memref<10240x128xf32, #tpu.memory_space<vmem_shared>>
        tpu.enqueue_indirect_dma source(%arg13 : memref<128x128xf32, #tpu.memory_space<vmem>>) target(%dma_start3A_133 : memref<10240x128xf32, #tpu.memory_space<vmem_shared>>) offsets(%dma_start3A_130 : memref<128xi32, #tpu.memory_space<vmem>>) semaphore(%arg18 : memref<!tpu.dma_semaphore, #tpu.memory_space<semaphore_mem>>) {add = true}
        %get3A_134 = arith.index_cast %add3A_76 : i32 to index
        %get3A_135 = arith.constant 0 : index
        %get3A_136 = tpu.vector_load %arg11[%get3A_134, %get3A_135] {strides = array<i32>} : memref<16x128xi32, #tpu.memory_space<vmem>>, vector<16xi32>,
        tpu.vector_store_idx %arg14[%get3A_136], %broadcast_in_dim3A_24 {add = true} : memref<10240xf32, #tpu.memory_space<vmem>>[vector<16xi32>], vector<16xf32>,
        %get3A_137 = arith.index_cast %add3A_76 : i32 to index
        %get3A_138 = arith.constant 16 : index
        %get3A_139 = tpu.vector_load %arg11[%get3A_137, %get3A_138] {strides = array<i32>} : memref<16x128xi32, #tpu.memory_space<vmem>>, vector<16xi32>,
        tpu.vector_store_idx %arg14[%get3A_139], %broadcast_in_dim3A_24 {add = true} : memref<10240xf32, #tpu.memory_space<vmem>>[vector<16xi32>], vector<16xf32>,
        %get3A_140 = arith.index_cast %add3A_76 : i32 to index
        %get3A_141 = arith.constant 32 : index
        %get3A_142 = tpu.vector_load %arg11[%get3A_140, %get3A_141] {strides = array<i32>} : memref<16x128xi32, #tpu.memory_space<vmem>>, vector<16xi32>,
        tpu.vector_store_idx %arg14[%get3A_142], %broadcast_in_dim3A_24 {add = true} : memref<10240xf32, #tpu.memory_space<vmem>>[vector<16xi32>], vector<16xf32>,
        %get3A_143 = arith.index_cast %add3A_76 : i32 to index
        %get3A_144 = arith.constant 48 : index
        %get3A_145 = tpu.vector_load %arg11[%get3A_143, %get3A_144] {strides = array<i32>} : memref<16x128xi32, #tpu.memory_space<vmem>>, vector<16xi32>,
        tpu.vector_store_idx %arg14[%get3A_145], %broadcast_in_dim3A_24 {add = true} : memref<10240xf32, #tpu.memory_space<vmem>>[vector<16xi32>], vector<16xf32>,
        %get3A_146 = arith.index_cast %add3A_76 : i32 to index
        %get3A_147 = arith.constant 64 : index
        %get3A_148 = tpu.vector_load %arg11[%get3A_146, %get3A_147] {strides = array<i32>} : memref<16x128xi32, #tpu.memory_space<vmem>>, vector<16xi32>,
        tpu.vector_store_idx %arg14[%get3A_148], %broadcast_in_dim3A_24 {add = true} : memref<10240xf32, #tpu.memory_space<vmem>>[vector<16xi32>], vector<16xf32>,
        %get3A_149 = arith.index_cast %add3A_76 : i32 to index
        %get3A_150 = arith.constant 80 : index
        %get3A_151 = tpu.vector_load %arg11[%get3A_149, %get3A_150] {strides = array<i32>} : memref<16x128xi32, #tpu.memory_space<vmem>>, vector<16xi32>,
        tpu.vector_store_idx %arg14[%get3A_151], %broadcast_in_dim3A_24 {add = true} : memref<10240xf32, #tpu.memory_space<vmem>>[vector<16xi32>], vector<16xf32>,
        %get3A_152 = arith.index_cast %add3A_76 : i32 to index
        %get3A_153 = arith.constant 96 : index
        %get3A_154 = tpu.vector_load %arg11[%get3A_152, %get3A_153] {strides = array<i32>} : memref<16x128xi32, #tpu.memory_space<vmem>>, vector<16xi32>,
        tpu.vector_store_idx %arg14[%get3A_154], %broadcast_in_dim3A_24 {add = true} : memref<10240xf32, #tpu.memory_space<vmem>>[vector<16xi32>], vector<16xf32>,
        %get3A_155 = arith.index_cast %add3A_76 : i32 to index
        %get3A_156 = arith.constant 112 : index
        %get3A_157 = tpu.vector_load %arg11[%get3A_155, %get3A_156] {strides = array<i32>} : memref<16x128xi32, #tpu.memory_space<vmem>>, vector<16xi32>,
        tpu.vector_store_idx %arg14[%get3A_157], %broadcast_in_dim3A_24 {add = true} : memref<10240xf32, #tpu.memory_space<vmem>>[vector<16xi32>], vector<16xf32>,
        %dma_wait3A_158 = arith.constant 0 : i32
        %dma_wait3A_159 = tpu.memref_slice %arg11[%mul3A_74, %dma_wait3A_158] : memref<16x128xi32, #tpu.memory_space<vmem>> -> memref<1x128xi32, #tpu.memory_space<vmem>>
        %dma_wait3A_160 = tpu.memref_squeeze %dma_wait3A_159 : memref<1x128xi32, #tpu.memory_space<vmem>> -> memref<128xi32, #tpu.memory_space<vmem>>
        %dma_wait3A_161 = arith.constant 0 : i32
        %dma_wait3A_162 = arith.constant 0 : i32
        %dma_wait3A_163 = tpu.memref_slice %arg9[%dma_wait3A_161, %dma_wait3A_162] : memref<10240x128xf32, #tpu.memory_space<vmem_shared>> -> memref<10240x128xf32, #tpu.memory_space<vmem_shared>>
        tpu.wait_indirect_dma semaphore(%arg17 : memref<!tpu.dma_semaphore, #tpu.memory_space<semaphore_mem>>) src(%arg12 : memref<128x128xf32, #tpu.memory_space<vmem>>) dst(%dma_wait3A_163 : memref<10240x128xf32, #tpu.memory_space<vmem_shared>>)
        %dma_wait3A_164 = arith.constant 0 : i32
        %dma_wait3A_165 = tpu.memref_slice %arg11[%add3A_76, %dma_wait3A_164] : memref<16x128xi32, #tpu.memory_space<vmem>> -> memref<1x128xi32, #tpu.memory_space<vmem>>
        %dma_wait3A_166 = tpu.memref_squeeze %dma_wait3A_165 : memref<1x128xi32, #tpu.memory_space<vmem>> -> memref<128xi32, #tpu.memory_space<vmem>>
        %dma_wait3A_167 = arith.constant 0 : i32
        %dma_wait3A_168 = arith.constant 0 : i32
        %dma_wait3A_169 = tpu.memref_slice %arg9[%dma_wait3A_167, %dma_wait3A_168] : memref<10240x128xf32, #tpu.memory_space<vmem_shared>> -> memref<10240x128xf32, #tpu.memory_space<vmem_shared>>
        tpu.wait_indirect_dma semaphore(%arg18 : memref<!tpu.dma_semaphore, #tpu.memory_space<semaphore_mem>>) src(%arg13 : memref<128x128xf32, #tpu.memory_space<vmem>>) dst(%dma_wait3A_169 : memref<10240x128xf32, #tpu.memory_space<vmem_shared>>)
        %scan3A_170 = arith.constant 0 : i32
        scf.yield %scan3A_170 : i32
      }
      %scan3A_70 = arith.constant 8 : i32
      scf.yield %scan3A_69 : i32
    }
    %while3A_34 = arith.constant 1 : i32
    %while3A_35 = scf.for %while3A_57 = %while3A_31 to %while3A_27 step %while3A_34 iter_args(%while3A_58 = %while3A_33) -> (i32)  : i32 {
      %mul3A_59 = arith.constant 16 : i32
      %mul3A_60 = arith.muli %while3A_57, %mul3A_59 : i32
      %add3A_61 = arith.addi %select_n3A, %mul3A_60 : i32
      "tpu.region"() ({
        %run_scoped3A = tpu.sem_alloc : memref<!tpu.dma_semaphore, #tpu.memory_space<semaphore_mem>>
        %dma_start3A = arith.constant 0 : i32
        %dma_start3A_71 = tpu.memref_slice %arg2[%add3A_61, %dma_start3A] : memref<2560x128xi32, #tpu.memory_space<hbm>> -> memref<16x128xi32, #tpu.memory_space<hbm>>
        %dma_start3A_72 = arith.constant 0 : i32
        %dma_start3A_73 = tpu.memref_slice %arg2[%add3A_61, %dma_start3A_72] : memref<2560x128xi32, #tpu.memory_space<hbm>> -> memref<16x128xi32, #tpu.memory_space<hbm>>
        tpu.enqueue_dma source(%dma_start3A_73 : memref<16x128xi32, #tpu.memory_space<hbm>>) target(%arg10 : memref<16x128xi32, #tpu.memory_space<vmem>>) target_semaphore(%run_scoped3A : memref<!tpu.dma_semaphore, #tpu.memory_space<semaphore_mem>>)
        %dma_wait3A = arith.constant 0 : i32
        %dma_wait3A_74 = tpu.memref_slice %arg2[%add3A_61, %dma_wait3A] : memref<2560x128xi32, #tpu.memory_space<hbm>> -> memref<16x128xi32, #tpu.memory_space<hbm>>
        %dma_wait3A_75 = arith.constant 0 : i32
        %dma_wait3A_76 = tpu.memref_slice %arg2[%add3A_61, %dma_wait3A_75] : memref<2560x128xi32, #tpu.memory_space<hbm>> -> memref<16x128xi32, #tpu.memory_space<hbm>>
        tpu.wait_dma2 semaphore(%run_scoped3A : memref<!tpu.dma_semaphore, #tpu.memory_space<semaphore_mem>>) src(%dma_wait3A_76 : memref<16x128xi32, #tpu.memory_space<hbm>>) dst(%arg10 : memref<16x128xi32, #tpu.memory_space<vmem>>)
        tpu.yield
      }) : () -> ()
      %mul3A_62 = arith.constant 16 : i32
      %mul3A_63 = arith.muli %while3A_57, %mul3A_62 : i32
      %add3A_64 = arith.addi %select_n3A, %mul3A_63 : i32
      "tpu.region"() ({
        %run_scoped3A = tpu.sem_alloc : memref<!tpu.dma_semaphore, #tpu.memory_space<semaphore_mem>>
        %dma_start3A = arith.constant 0 : i32
        %dma_start3A_71 = tpu.memref_slice %arg3[%add3A_64, %dma_start3A] : memref<2560x128xi32, #tpu.memory_space<hbm>> -> memref<16x128xi32, #tpu.memory_space<hbm>>
        %dma_start3A_72 = arith.constant 0 : i32
        %dma_start3A_73 = tpu.memref_slice %arg3[%add3A_64, %dma_start3A_72] : memref<2560x128xi32, #tpu.memory_space<hbm>> -> memref<16x128xi32, #tpu.memory_space<hbm>>
        tpu.enqueue_dma source(%dma_start3A_73 : memref<16x128xi32, #tpu.memory_space<hbm>>) target(%arg11 : memref<16x128xi32, #tpu.memory_space<vmem>>) target_semaphore(%run_scoped3A : memref<!tpu.dma_semaphore, #tpu.memory_space<semaphore_mem>>)
        %dma_wait3A = arith.constant 0 : i32
        %dma_wait3A_74 = tpu.memref_slice %arg3[%add3A_64, %dma_wait3A] : memref<2560x128xi32, #tpu.memory_space<hbm>> -> memref<16x128xi32, #tpu.memory_space<hbm>>
        %dma_wait3A_75 = arith.constant 0 : i32
        %dma_wait3A_76 = tpu.memref_slice %arg3[%add3A_64, %dma_wait3A_75] : memref<2560x128xi32, #tpu.memory_space<hbm>> -> memref<16x128xi32, #tpu.memory_space<hbm>>
        tpu.wait_dma2 semaphore(%run_scoped3A : memref<!tpu.dma_semaphore, #tpu.memory_space<semaphore_mem>>) src(%dma_wait3A_76 : memref<16x128xi32, #tpu.memory_space<hbm>>) dst(%arg11 : memref<16x128xi32, #tpu.memory_space<vmem>>)
        tpu.yield
      }) : () -> ()
      %scan3A = arith.constant 0 : i32
      %scan3A_65 = arith.constant 0 : i32
      %scan3A_66 = arith.constant 8 : i32
      %scan3A_67 = arith.addi %scan3A_65, %scan3A_66 : i32
      %scan3A_68 = arith.constant 1 : i32
      %scan3A_69 = scf.for %scan3A_71 = %scan3A_65 to %scan3A_67 step %scan3A_68 iter_args(%scan3A_72 = %scan3A) -> (i32)  : i32 {
        %mul3A_73 = arith.constant 2 : i32
        %mul3A_74 = arith.muli %mul3A_73, %scan3A_71 : i32
        %add3A_75 = arith.constant 1 : i32
        %add3A_76 = arith.addi %mul3A_74, %add3A_75 : i32
        %dma_start3A = arith.constant 0 : i32
        %dma_start3A_77 = tpu.memref_slice %arg10[%mul3A_74, %dma_start3A] : memref<16x128xi32, #tpu.memory_space<vmem>> -> memref<1x128xi32, #tpu.memory_space<vmem>>
        %dma_start3A_78 = tpu.memref_squeeze %dma_start3A_77 : memref<1x128xi32, #tpu.memory_space<vmem>> -> memref<128xi32, #tpu.memory_space<vmem>>
        %dma_start3A_79 = arith.constant 0 : i32
        %dma_start3A_80 = arith.constant 0 : i32
        %dma_start3A_81 = tpu.memref_slice %arg4[%dma_start3A_79, %dma_start3A_80] : memref<10000x128xf32, #tpu.memory_space<hbm>> -> memref<10000x128xf32, #tpu.memory_space<hbm>>
        tpu.enqueue_indirect_dma source(%dma_start3A_81 : memref<10000x128xf32, #tpu.memory_space<hbm>>) target(%arg12 : memref<128x128xf32, #tpu.memory_space<vmem>>) offsets(%dma_start3A_78 : memref<128xi32, #tpu.memory_space<vmem>>) semaphore(%arg15 : memref<!tpu.dma_semaphore, #tpu.memory_space<semaphore_mem>>)
        %dma_start3A_82 = arith.constant 0 : i32
        %dma_start3A_83 = tpu.memref_slice %arg10[%add3A_76, %dma_start3A_82] : memref<16x128xi32, #tpu.memory_space<vmem>> -> memref<1x128xi32, #tpu.memory_space<vmem>>
        %dma_start3A_84 = tpu.memref_squeeze %dma_start3A_83 : memref<1x128xi32, #tpu.memory_space<vmem>> -> memref<128xi32, #tpu.memory_space<vmem>>
        %dma_start3A_85 = arith.constant 0 : i32
        %dma_start3A_86 = arith.constant 0 : i32
        %dma_start3A_87 = tpu.memref_slice %arg4[%dma_start3A_85, %dma_start3A_86] : memref<10000x128xf32, #tpu.memory_space<hbm>> -> memref<10000x128xf32, #tpu.memory_space<hbm>>
        tpu.enqueue_indirect_dma source(%dma_start3A_87 : memref<10000x128xf32, #tpu.memory_space<hbm>>) target(%arg13 : memref<128x128xf32, #tpu.memory_space<vmem>>) offsets(%dma_start3A_84 : memref<128xi32, #tpu.memory_space<vmem>>) semaphore(%arg16 : memref<!tpu.dma_semaphore, #tpu.memory_space<semaphore_mem>>)
        %dma_wait3A = arith.constant 0 : i32
        %dma_wait3A_88 = tpu.memref_slice %arg10[%mul3A_74, %dma_wait3A] : memref<16x128xi32, #tpu.memory_space<vmem>> -> memref<1x128xi32, #tpu.memory_space<vmem>>
        %dma_wait3A_89 = tpu.memref_squeeze %dma_wait3A_88 : memref<1x128xi32, #tpu.memory_space<vmem>> -> memref<128xi32, #tpu.memory_space<vmem>>
        %dma_wait3A_90 = arith.constant 0 : i32
        %dma_wait3A_91 = arith.constant 0 : i32
        %dma_wait3A_92 = tpu.memref_slice %arg4[%dma_wait3A_90, %dma_wait3A_91] : memref<10000x128xf32, #tpu.memory_space<hbm>> -> memref<10000x128xf32, #tpu.memory_space<hbm>>
        tpu.wait_indirect_dma semaphore(%arg15 : memref<!tpu.dma_semaphore, #tpu.memory_space<semaphore_mem>>) src(%dma_wait3A_92 : memref<10000x128xf32, #tpu.memory_space<hbm>>) dst(%arg12 : memref<128x128xf32, #tpu.memory_space<vmem>>)
        %dma_start3A_93 = arith.constant 0 : i32
        %dma_start3A_94 = tpu.memref_slice %arg11[%mul3A_74, %dma_start3A_93] : memref<16x128xi32, #tpu.memory_space<vmem>> -> memref<1x128xi32, #tpu.memory_space<vmem>>
        %dma_start3A_95 = tpu.memref_squeeze %dma_start3A_94 : memref<1x128xi32, #tpu.memory_space<vmem>> -> memref<128xi32, #tpu.memory_space<vmem>>
        %dma_start3A_96 = arith.constant 0 : i32
        %dma_start3A_97 = arith.constant 0 : i32
        %dma_start3A_98 = tpu.memref_slice %arg9[%dma_start3A_96, %dma_start3A_97] : memref<10240x128xf32, #tpu.memory_space<vmem_shared>> -> memref<10240x128xf32, #tpu.memory_space<vmem_shared>>
        tpu.enqueue_indirect_dma source(%arg12 : memref<128x128xf32, #tpu.memory_space<vmem>>) target(%dma_start3A_98 : memref<10240x128xf32, #tpu.memory_space<vmem_shared>>) offsets(%dma_start3A_95 : memref<128xi32, #tpu.memory_space<vmem>>) semaphore(%arg17 : memref<!tpu.dma_semaphore, #tpu.memory_space<semaphore_mem>>) {add = true}
        %get3A = arith.index_cast %mul3A_74 : i32 to index
        %get3A_99 = arith.constant 0 : index
        %get3A_100 = tpu.vector_load %arg11[%get3A, %get3A_99] {strides = array<i32>} : memref<16x128xi32, #tpu.memory_space<vmem>>, vector<16xi32>,
        tpu.vector_store_idx %arg14[%get3A_100], %broadcast_in_dim3A_24 {add = true} : memref<10240xf32, #tpu.memory_space<vmem>>[vector<16xi32>], vector<16xf32>,
        %get3A_101 = arith.index_cast %mul3A_74 : i32 to index
        %get3A_102 = arith.constant 16 : index
        %get3A_103 = tpu.vector_load %arg11[%get3A_101, %get3A_102] {strides = array<i32>} : memref<16x128xi32, #tpu.memory_space<vmem>>, vector<16xi32>,
        tpu.vector_store_idx %arg14[%get3A_103], %broadcast_in_dim3A_24 {add = true} : memref<10240xf32, #tpu.memory_space<vmem>>[vector<16xi32>], vector<16xf32>,
        %get3A_104 = arith.index_cast %mul3A_74 : i32 to index
        %get3A_105 = arith.constant 32 : index
        %get3A_106 = tpu.vector_load %arg11[%get3A_104, %get3A_105] {strides = array<i32>} : memref<16x128xi32, #tpu.memory_space<vmem>>, vector<16xi32>,
        tpu.vector_store_idx %arg14[%get3A_106], %broadcast_in_dim3A_24 {add = true} : memref<10240xf32, #tpu.memory_space<vmem>>[vector<16xi32>], vector<16xf32>,
        %get3A_107 = arith.index_cast %mul3A_74 : i32 to index
        %get3A_108 = arith.constant 48 : index
        %get3A_109 = tpu.vector_load %arg11[%get3A_107, %get3A_108] {strides = array<i32>} : memref<16x128xi32, #tpu.memory_space<vmem>>, vector<16xi32>,
        tpu.vector_store_idx %arg14[%get3A_109], %broadcast_in_dim3A_24 {add = true} : memref<10240xf32, #tpu.memory_space<vmem>>[vector<16xi32>], vector<16xf32>,
        %get3A_110 = arith.index_cast %mul3A_74 : i32 to index
        %get3A_111 = arith.constant 64 : index
        %get3A_112 = tpu.vector_load %arg11[%get3A_110, %get3A_111] {strides = array<i32>} : memref<16x128xi32, #tpu.memory_space<vmem>>, vector<16xi32>,
        tpu.vector_store_idx %arg14[%get3A_112], %broadcast_in_dim3A_24 {add = true} : memref<10240xf32, #tpu.memory_space<vmem>>[vector<16xi32>], vector<16xf32>,
        %get3A_113 = arith.index_cast %mul3A_74 : i32 to index
        %get3A_114 = arith.constant 80 : index
        %get3A_115 = tpu.vector_load %arg11[%get3A_113, %get3A_114] {strides = array<i32>} : memref<16x128xi32, #tpu.memory_space<vmem>>, vector<16xi32>,
        tpu.vector_store_idx %arg14[%get3A_115], %broadcast_in_dim3A_24 {add = true} : memref<10240xf32, #tpu.memory_space<vmem>>[vector<16xi32>], vector<16xf32>,
        %get3A_116 = arith.index_cast %mul3A_74 : i32 to index
        %get3A_117 = arith.constant 96 : index
        %get3A_118 = tpu.vector_load %arg11[%get3A_116, %get3A_117] {strides = array<i32>} : memref<16x128xi32, #tpu.memory_space<vmem>>, vector<16xi32>,
        tpu.vector_store_idx %arg14[%get3A_118], %broadcast_in_dim3A_24 {add = true} : memref<10240xf32, #tpu.memory_space<vmem>>[vector<16xi32>], vector<16xf32>,
        %get3A_119 = arith.index_cast %mul3A_74 : i32 to index
        %get3A_120 = arith.constant 112 : index
        %get3A_121 = tpu.vector_load %arg11[%get3A_119, %get3A_120] {strides = array<i32>} : memref<16x128xi32, #tpu.memory_space<vmem>>, vector<16xi32>,
        tpu.vector_store_idx %arg14[%get3A_121], %broadcast_in_dim3A_24 {add = true} : memref<10240xf32, #tpu.memory_space<vmem>>[vector<16xi32>], vector<16xf32>,
        %dma_wait3A_122 = arith.constant 0 : i32
        %dma_wait3A_123 = tpu.memref_slice %arg10[%add3A_76, %dma_wait3A_122] : memref<16x128xi32, #tpu.memory_space<vmem>> -> memref<1x128xi32, #tpu.memory_space<vmem>>
        %dma_wait3A_124 = tpu.memref_squeeze %dma_wait3A_123 : memref<1x128xi32, #tpu.memory_space<vmem>> -> memref<128xi32, #tpu.memory_space<vmem>>
        %dma_wait3A_125 = arith.constant 0 : i32
        %dma_wait3A_126 = arith.constant 0 : i32
        %dma_wait3A_127 = tpu.memref_slice %arg4[%dma_wait3A_125, %dma_wait3A_126] : memref<10000x128xf32, #tpu.memory_space<hbm>> -> memref<10000x128xf32, #tpu.memory_space<hbm>>
        tpu.wait_indirect_dma semaphore(%arg16 : memref<!tpu.dma_semaphore, #tpu.memory_space<semaphore_mem>>) src(%dma_wait3A_127 : memref<10000x128xf32, #tpu.memory_space<hbm>>) dst(%arg13 : memref<128x128xf32, #tpu.memory_space<vmem>>)
        %dma_start3A_128 = arith.constant 0 : i32
        %dma_start3A_129 = tpu.memref_slice %arg11[%add3A_76, %dma_start3A_128] : memref<16x128xi32, #tpu.memory_space<vmem>> -> memref<1x128xi32, #tpu.memory_space<vmem>>
        %dma_start3A_130 = tpu.memref_squeeze %dma_start3A_129 : memref<1x128xi32, #tpu.memory_space<vmem>> -> memref<128xi32, #tpu.memory_space<vmem>>
        %dma_start3A_131 = arith.constant 0 : i32
        %dma_start3A_132 = arith.constant 0 : i32
        %dma_start3A_133 = tpu.memref_slice %arg9[%dma_start3A_131, %dma_start3A_132] : memref<10240x128xf32, #tpu.memory_space<vmem_shared>> -> memref<10240x128xf32, #tpu.memory_space<vmem_shared>>
        tpu.enqueue_indirect_dma source(%arg13 : memref<128x128xf32, #tpu.memory_space<vmem>>) target(%dma_start3A_133 : memref<10240x128xf32, #tpu.memory_space<vmem_shared>>) offsets(%dma_start3A_130 : memref<128xi32, #tpu.memory_space<vmem>>) semaphore(%arg18 : memref<!tpu.dma_semaphore, #tpu.memory_space<semaphore_mem>>) {add = true}
        %get3A_134 = arith.index_cast %add3A_76 : i32 to index
        %get3A_135 = arith.constant 0 : index
        %get3A_136 = tpu.vector_load %arg11[%get3A_134, %get3A_135] {strides = array<i32>} : memref<16x128xi32, #tpu.memory_space<vmem>>, vector<16xi32>,
        tpu.vector_store_idx %arg14[%get3A_136], %broadcast_in_dim3A_24 {add = true} : memref<10240xf32, #tpu.memory_space<vmem>>[vector<16xi32>], vector<16xf32>,
        %get3A_137 = arith.index_cast %add3A_76 : i32 to index
        %get3A_138 = arith.constant 16 : index
        %get3A_139 = tpu.vector_load %arg11[%get3A_137, %get3A_138] {strides = array<i32>} : memref<16x128xi32, #tpu.memory_space<vmem>>, vector<16xi32>,
        tpu.vector_store_idx %arg14[%get3A_139], %broadcast_in_dim3A_24 {add = true} : memref<10240xf32, #tpu.memory_space<vmem>>[vector<16xi32>], vector<16xf32>,
        %get3A_140 = arith.index_cast %add3A_76 : i32 to index
        %get3A_141 = arith.constant 32 : index
        %get3A_142 = tpu.vector_load %arg11[%get3A_140, %get3A_141] {strides = array<i32>} : memref<16x128xi32, #tpu.memory_space<vmem>>, vector<16xi32>,
        tpu.vector_store_idx %arg14[%get3A_142], %broadcast_in_dim3A_24 {add = true} : memref<10240xf32, #tpu.memory_space<vmem>>[vector<16xi32>], vector<16xf32>,
        %get3A_143 = arith.index_cast %add3A_76 : i32 to index
        %get3A_144 = arith.constant 48 : index
        %get3A_145 = tpu.vector_load %arg11[%get3A_143, %get3A_144] {strides = array<i32>} : memref<16x128xi32, #tpu.memory_space<vmem>>, vector<16xi32>,
        tpu.vector_store_idx %arg14[%get3A_145], %broadcast_in_dim3A_24 {add = true} : memref<10240xf32, #tpu.memory_space<vmem>>[vector<16xi32>], vector<16xf32>,
        %get3A_146 = arith.index_cast %add3A_76 : i32 to index
        %get3A_147 = arith.constant 64 : index
        %get3A_148 = tpu.vector_load %arg11[%get3A_146, %get3A_147] {strides = array<i32>} : memref<16x128xi32, #tpu.memory_space<vmem>>, vector<16xi32>,
        tpu.vector_store_idx %arg14[%get3A_148], %broadcast_in_dim3A_24 {add = true} : memref<10240xf32, #tpu.memory_space<vmem>>[vector<16xi32>], vector<16xf32>,
        %get3A_149 = arith.index_cast %add3A_76 : i32 to index
        %get3A_150 = arith.constant 80 : index
        %get3A_151 = tpu.vector_load %arg11[%get3A_149, %get3A_150] {strides = array<i32>} : memref<16x128xi32, #tpu.memory_space<vmem>>, vector<16xi32>,
        tpu.vector_store_idx %arg14[%get3A_151], %broadcast_in_dim3A_24 {add = true} : memref<10240xf32, #tpu.memory_space<vmem>>[vector<16xi32>], vector<16xf32>,
        %get3A_152 = arith.index_cast %add3A_76 : i32 to index
        %get3A_153 = arith.constant 96 : index
        %get3A_154 = tpu.vector_load %arg11[%get3A_152, %get3A_153] {strides = array<i32>} : memref<16x128xi32, #tpu.memory_space<vmem>>, vector<16xi32>,
        tpu.vector_store_idx %arg14[%get3A_154], %broadcast_in_dim3A_24 {add = true} : memref<10240xf32, #tpu.memory_space<vmem>>[vector<16xi32>], vector<16xf32>,
        %get3A_155 = arith.index_cast %add3A_76 : i32 to index
        %get3A_156 = arith.constant 112 : index
        %get3A_157 = tpu.vector_load %arg11[%get3A_155, %get3A_156] {strides = array<i32>} : memref<16x128xi32, #tpu.memory_space<vmem>>, vector<16xi32>,
        tpu.vector_store_idx %arg14[%get3A_157], %broadcast_in_dim3A_24 {add = true} : memref<10240xf32, #tpu.memory_space<vmem>>[vector<16xi32>], vector<16xf32>,
        %dma_wait3A_158 = arith.constant 0 : i32
        %dma_wait3A_159 = tpu.memref_slice %arg11[%mul3A_74, %dma_wait3A_158] : memref<16x128xi32, #tpu.memory_space<vmem>> -> memref<1x128xi32, #tpu.memory_space<vmem>>
        %dma_wait3A_160 = tpu.memref_squeeze %dma_wait3A_159 : memref<1x128xi32, #tpu.memory_space<vmem>> -> memref<128xi32, #tpu.memory_space<vmem>>
        %dma_wait3A_161 = arith.constant 0 : i32
        %dma_wait3A_162 = arith.constant 0 : i32
        %dma_wait3A_163 = tpu.memref_slice %arg9[%dma_wait3A_161, %dma_wait3A_162] : memref<10240x128xf32, #tpu.memory_space<vmem_shared>> -> memref<10240x128xf32, #tpu.memory_space<vmem_shared>>
        tpu.wait_indirect_dma semaphore(%arg17 : memref<!tpu.dma_semaphore, #tpu.memory_space<semaphore_mem>>) src(%arg12 : memref<128x128xf32, #tpu.memory_space<vmem>>) dst(%dma_wait3A_163 : memref<10240x128xf32, #tpu.memory_space<vmem_shared>>)
        %dma_wait3A_164 = arith.constant 0 : i32
        %dma_wait3A_165 = tpu.memref_slice %arg11[%add3A_76, %dma_wait3A_164] : memref<16x128xi32, #tpu.memory_space<vmem>> -> memref<1x128xi32, #tpu.memory_space<vmem>>
        %dma_wait3A_166 = tpu.memref_squeeze %dma_wait3A_165 : memref<1x128xi32, #tpu.memory_space<vmem>> -> memref<128xi32, #tpu.memory_space<vmem>>
        %dma_wait3A_167 = arith.constant 0 : i32
        %dma_wait3A_168 = arith.constant 0 : i32
        %dma_wait3A_169 = tpu.memref_slice %arg9[%dma_wait3A_167, %dma_wait3A_168] : memref<10240x128xf32, #tpu.memory_space<vmem_shared>> -> memref<10240x128xf32, #tpu.memory_space<vmem_shared>>
        tpu.wait_indirect_dma semaphore(%arg18 : memref<!tpu.dma_semaphore, #tpu.memory_space<semaphore_mem>>) src(%arg13 : memref<128x128xf32, #tpu.memory_space<vmem>>) dst(%dma_wait3A_169 : memref<10240x128xf32, #tpu.memory_space<vmem_shared>>)
        %scan3A_170 = arith.constant 0 : i32
        scf.yield %scan3A_170 : i32
      }
      %scan3A_70 = arith.constant 8 : i32
      scf.yield %scan3A_69 : i32
    }
    %barrier3A_36 = arith.constant 0 : index
    tpu.barrier barrier_id(%barrier3A_36)
    %add3A_37 = arith.constant 0 : i32
    %add3A_38 = arith.addi %mul3A_13, %add3A_37 : i32
    "tpu.region"() ({
      %run_scoped3A = tpu.sem_alloc : memref<!tpu.dma_semaphore, #tpu.memory_space<semaphore_mem>>
      %dma_start3A = arith.constant 0 : i32
      %dma_start3A_57 = tpu.memref_slice %arg9[%add3A_38, %dma_start3A] : memref<10240x128xf32, #tpu.memory_space<vmem_shared>> -> memref<128x128xf32, #tpu.memory_space<vmem_shared>>
      %dma_start3A_58 = arith.constant 0 : i32
      %dma_start3A_59 = tpu.memref_slice %arg9[%add3A_38, %dma_start3A_58] : memref<10240x128xf32, #tpu.memory_space<vmem_shared>> -> memref<128x128xf32, #tpu.memory_space<vmem_shared>>
      tpu.enqueue_dma source(%dma_start3A_59 : memref<128x128xf32, #tpu.memory_space<vmem_shared>>) target(%arg12 : memref<128x128xf32, #tpu.memory_space<vmem>>) target_semaphore(%run_scoped3A : memref<!tpu.dma_semaphore, #tpu.memory_space<semaphore_mem>>)
      %dma_wait3A = arith.constant 0 : i32
      %dma_wait3A_60 = tpu.memref_slice %arg9[%add3A_38, %dma_wait3A] : memref<10240x128xf32, #tpu.memory_space<vmem_shared>> -> memref<128x128xf32, #tpu.memory_space<vmem_shared>>
      %dma_wait3A_61 = arith.constant 0 : i32
      %dma_wait3A_62 = tpu.memref_slice %arg9[%add3A_38, %dma_wait3A_61] : memref<10240x128xf32, #tpu.memory_space<vmem_shared>> -> memref<128x128xf32, #tpu.memory_space<vmem_shared>>
      tpu.wait_dma2 semaphore(%run_scoped3A : memref<!tpu.dma_semaphore, #tpu.memory_space<semaphore_mem>>) src(%dma_wait3A_62 : memref<128x128xf32, #tpu.memory_space<vmem_shared>>) dst(%arg12 : memref<128x128xf32, #tpu.memory_space<vmem>>)
      tpu.yield
    }) : () -> ()
    %add3A_39 = arith.constant 0 : i32
    %add3A_40 = arith.addi %mul3A_13, %add3A_39 : i32
    "tpu.region"() ({
      %run_scoped3A = tpu.sem_alloc : memref<!tpu.dma_semaphore, #tpu.memory_space<semaphore_mem>>
      %dma_start3A = arith.constant 0 : i32
      %dma_start3A_57 = tpu.memref_slice %arg7[%arg0, %add3A_40, %dma_start3A] : memref<2x10240x128xf32, #tpu.memory_space<hbm>> -> memref<1x128x128xf32, #tpu.memory_space<hbm>>
      %dma_start3A_58 = tpu.memref_squeeze %dma_start3A_57 : memref<1x128x128xf32, #tpu.memory_space<hbm>> -> memref<128x128xf32, #tpu.memory_space<hbm>>
      %dma_start3A_59 = arith.constant 0 : i32
      %dma_start3A_60 = tpu.memref_slice %arg7[%arg0, %add3A_40, %dma_start3A_59] : memref<2x10240x128xf32, #tpu.memory_space<hbm>> -> memref<1x128x128xf32, #tpu.memory_space<hbm>>
      %dma_start3A_61 = tpu.memref_squeeze %dma_start3A_60 : memref<1x128x128xf32, #tpu.memory_space<hbm>> -> memref<128x128xf32, #tpu.memory_space<hbm>>
      tpu.enqueue_dma source(%arg12 : memref<128x128xf32, #tpu.memory_space<vmem>>) target(%dma_start3A_61 : memref<128x128xf32, #tpu.memory_space<hbm>>) target_semaphore(%run_scoped3A : memref<!tpu.dma_semaphore, #tpu.memory_space<semaphore_mem>>)
      %dma_wait3A = arith.constant 0 : i32
      %dma_wait3A_62 = tpu.memref_slice %arg7[%arg0, %add3A_40, %dma_wait3A] : memref<2x10240x128xf32, #tpu.memory_space<hbm>> -> memref<1x128x128xf32, #tpu.memory_space<hbm>>
      %dma_wait3A_63 = tpu.memref_squeeze %dma_wait3A_62 : memref<1x128x128xf32, #tpu.memory_space<hbm>> -> memref<128x128xf32, #tpu.memory_space<hbm>>
      %dma_wait3A_64 = arith.constant 0 : i32
      %dma_wait3A_65 = tpu.memref_slice %arg7[%arg0, %add3A_40, %dma_wait3A_64] : memref<2x10240x128xf32, #tpu.memory_space<hbm>> -> memref<1x128x128xf32, #tpu.memory_space<hbm>>
      %dma_wait3A_66 = tpu.memref_squeeze %dma_wait3A_65 : memref<1x128x128xf32, #tpu.memory_space<hbm>> -> memref<128x128xf32, #tpu.memory_space<hbm>>
      tpu.wait_dma2 semaphore(%run_scoped3A : memref<!tpu.dma_semaphore, #tpu.memory_space<semaphore_mem>>) src(%arg12 : memref<128x128xf32, #tpu.memory_space<vmem>>) dst(%dma_wait3A_66 : memref<128x128xf32, #tpu.memory_space<hbm>>)
      tpu.yield
    }) : () -> ()
    %add3A_41 = arith.constant 128 : i32
    %add3A_42 = arith.addi %mul3A_13, %add3A_41 : i32
    "tpu.region"() ({
      %run_scoped3A = tpu.sem_alloc : memref<!tpu.dma_semaphore, #tpu.memory_space<semaphore_mem>>
      %dma_start3A = arith.constant 0 : i32
      %dma_start3A_57 = tpu.memref_slice %arg9[%add3A_42, %dma_start3A] : memref<10240x128xf32, #tpu.memory_space<vmem_shared>> -> memref<128x128xf32, #tpu.memory_space<vmem_shared>>
      %dma_start3A_58 = arith.constant 0 : i32
      %dma_start3A_59 = tpu.memref_slice %arg9[%add3A_42, %dma_start3A_58] : memref<10240x128xf32, #tpu.memory_space<vmem_shared>> -> memref<128x128xf32, #tpu.memory_space<vmem_shared>>
      tpu.enqueue_dma source(%dma_start3A_59 : memref<128x128xf32, #tpu.memory_space<vmem_shared>>) target(%arg13 : memref<128x128xf32, #tpu.memory_space<vmem>>) target_semaphore(%run_scoped3A : memref<!tpu.dma_semaphore, #tpu.memory_space<semaphore_mem>>)
      %dma_wait3A = arith.constant 0 : i32
      %dma_wait3A_60 = tpu.memref_slice %arg9[%add3A_42, %dma_wait3A] : memref<10240x128xf32, #tpu.memory_space<vmem_shared>> -> memref<128x128xf32, #tpu.memory_space<vmem_shared>>
      %dma_wait3A_61 = arith.constant 0 : i32
      %dma_wait3A_62 = tpu.memref_slice %arg9[%add3A_42, %dma_wait3A_61] : memref<10240x128xf32, #tpu.memory_space<vmem_shared>> -> memref<128x128xf32, #tpu.memory_space<vmem_shared>>
      tpu.wait_dma2 semaphore(%run_scoped3A : memref<!tpu.dma_semaphore, #tpu.memory_space<semaphore_mem>>) src(%dma_wait3A_62 : memref<128x128xf32, #tpu.memory_space<vmem_shared>>) dst(%arg13 : memref<128x128xf32, #tpu.memory_space<vmem>>)
      tpu.yield
    }) : () -> ()
    %add3A_43 = arith.constant 128 : i32
    %add3A_44 = arith.addi %mul3A_13, %add3A_43 : i32
    "tpu.region"() ({
      %run_scoped3A = tpu.sem_alloc : memref<!tpu.dma_semaphore, #tpu.memory_space<semaphore_mem>>
      %dma_start3A = arith.constant 0 : i32
      %dma_start3A_57 = tpu.memref_slice %arg7[%arg0, %add3A_44, %dma_start3A] : memref<2x10240x128xf32, #tpu.memory_space<hbm>> -> memref<1x128x128xf32, #tpu.memory_space<hbm>>
      %dma_start3A_58 = tpu.memref_squeeze %dma_start3A_57 : memref<1x128x128xf32, #tpu.memory_space<hbm>> -> memref<128x128xf32, #tpu.memory_space<hbm>>
      %dma_start3A_59 = arith.constant 0 : i32
      %dma_start3A_60 = tpu.memref_slice %arg7[%arg0, %add3A_44, %dma_start3A_59] : memref<2x10240x128xf32, #tpu.memory_space<hbm>> -> memref<1x128x128xf32, #tpu.memory_space<hbm>>
      %dma_start3A_61 = tpu.memref_squeeze %dma_start3A_60 : memref<1x128x128xf32, #tpu.memory_space<hbm>> -> memref<128x128xf32, #tpu.memory_space<hbm>>
      tpu.enqueue_dma source(%arg13 : memref<128x128xf32, #tpu.memory_space<vmem>>) target(%dma_start3A_61 : memref<128x128xf32, #tpu.memory_space<hbm>>) target_semaphore(%run_scoped3A : memref<!tpu.dma_semaphore, #tpu.memory_space<semaphore_mem>>)
      %dma_wait3A = arith.constant 0 : i32
      %dma_wait3A_62 = tpu.memref_slice %arg7[%arg0, %add3A_44, %dma_wait3A] : memref<2x10240x128xf32, #tpu.memory_space<hbm>> -> memref<1x128x128xf32, #tpu.memory_space<hbm>>
      %dma_wait3A_63 = tpu.memref_squeeze %dma_wait3A_62 : memref<1x128x128xf32, #tpu.memory_space<hbm>> -> memref<128x128xf32, #tpu.memory_space<hbm>>
      %dma_wait3A_64 = arith.constant 0 : i32
      %dma_wait3A_65 = tpu.memref_slice %arg7[%arg0, %add3A_44, %dma_wait3A_64] : memref<2x10240x128xf32, #tpu.memory_space<hbm>> -> memref<1x128x128xf32, #tpu.memory_space<hbm>>
      %dma_wait3A_66 = tpu.memref_squeeze %dma_wait3A_65 : memref<1x128x128xf32, #tpu.memory_space<hbm>> -> memref<128x128xf32, #tpu.memory_space<hbm>>
      tpu.wait_dma2 semaphore(%run_scoped3A : memref<!tpu.dma_semaphore, #tpu.memory_space<semaphore_mem>>) src(%arg13 : memref<128x128xf32, #tpu.memory_space<vmem>>) dst(%dma_wait3A_66 : memref<128x128xf32, #tpu.memory_space<hbm>>)
      tpu.yield
    }) : () -> ()
    %add3A_45 = arith.constant 256 : i32
    %add3A_46 = arith.addi %mul3A_13, %add3A_45 : i32
    "tpu.region"() ({
      %run_scoped3A = tpu.sem_alloc : memref<!tpu.dma_semaphore, #tpu.memory_space<semaphore_mem>>
      %dma_start3A = arith.constant 0 : i32
      %dma_start3A_57 = tpu.memref_slice %arg9[%add3A_46, %dma_start3A] : memref<10240x128xf32, #tpu.memory_space<vmem_shared>> -> memref<128x128xf32, #tpu.memory_space<vmem_shared>>
      %dma_start3A_58 = arith.constant 0 : i32
      %dma_start3A_59 = tpu.memref_slice %arg9[%add3A_46, %dma_start3A_58] : memref<10240x128xf32, #tpu.memory_space<vmem_shared>> -> memref<128x128xf32, #tpu.memory_space<vmem_shared>>
      tpu.enqueue_dma source(%dma_start3A_59 : memref<128x128xf32, #tpu.memory_space<vmem_shared>>) target(%arg12 : memref<128x128xf32, #tpu.memory_space<vmem>>) target_semaphore(%run_scoped3A : memref<!tpu.dma_semaphore, #tpu.memory_space<semaphore_mem>>)
      %dma_wait3A = arith.constant 0 : i32
      %dma_wait3A_60 = tpu.memref_slice %arg9[%add3A_46, %dma_wait3A] : memref<10240x128xf32, #tpu.memory_space<vmem_shared>> -> memref<128x128xf32, #tpu.memory_space<vmem_shared>>
      %dma_wait3A_61 = arith.constant 0 : i32
      %dma_wait3A_62 = tpu.memref_slice %arg9[%add3A_46, %dma_wait3A_61] : memref<10240x128xf32, #tpu.memory_space<vmem_shared>> -> memref<128x128xf32, #tpu.memory_space<vmem_shared>>
      tpu.wait_dma2 semaphore(%run_scoped3A : memref<!tpu.dma_semaphore, #tpu.memory_space<semaphore_mem>>) src(%dma_wait3A_62 : memref<128x128xf32, #tpu.memory_space<vmem_shared>>) dst(%arg12 : memref<128x128xf32, #tpu.memory_space<vmem>>)
      tpu.yield
    }) : () -> ()
    %add3A_47 = arith.constant 256 : i32
    %add3A_48 = arith.addi %mul3A_13, %add3A_47 : i32
    "tpu.region"() ({
      %run_scoped3A = tpu.sem_alloc : memref<!tpu.dma_semaphore, #tpu.memory_space<semaphore_mem>>
      %dma_start3A = arith.constant 0 : i32
      %dma_start3A_57 = tpu.memref_slice %arg7[%arg0, %add3A_48, %dma_start3A] : memref<2x10240x128xf32, #tpu.memory_space<hbm>> -> memref<1x128x128xf32, #tpu.memory_space<hbm>>
      %dma_start3A_58 = tpu.memref_squeeze %dma_start3A_57 : memref<1x128x128xf32, #tpu.memory_space<hbm>> -> memref<128x128xf32, #tpu.memory_space<hbm>>
      %dma_start3A_59 = arith.constant 0 : i32
      %dma_start3A_60 = tpu.memref_slice %arg7[%arg0, %add3A_48, %dma_start3A_59] : memref<2x10240x128xf32, #tpu.memory_space<hbm>> -> memref<1x128x128xf32, #tpu.memory_space<hbm>>
      %dma_start3A_61 = tpu.memref_squeeze %dma_start3A_60 : memref<1x128x128xf32, #tpu.memory_space<hbm>> -> memref<128x128xf32, #tpu.memory_space<hbm>>
      tpu.enqueue_dma source(%arg12 : memref<128x128xf32, #tpu.memory_space<vmem>>) target(%dma_start3A_61 : memref<128x128xf32, #tpu.memory_space<hbm>>) target_semaphore(%run_scoped3A : memref<!tpu.dma_semaphore, #tpu.memory_space<semaphore_mem>>)
      %dma_wait3A = arith.constant 0 : i32
      %dma_wait3A_62 = tpu.memref_slice %arg7[%arg0, %add3A_48, %dma_wait3A] : memref<2x10240x128xf32, #tpu.memory_space<hbm>> -> memref<1x128x128xf32, #tpu.memory_space<hbm>>
      %dma_wait3A_63 = tpu.memref_squeeze %dma_wait3A_62 : memref<1x128x128xf32, #tpu.memory_space<hbm>> -> memref<128x128xf32, #tpu.memory_space<hbm>>
      %dma_wait3A_64 = arith.constant 0 : i32
      %dma_wait3A_65 = tpu.memref_slice %arg7[%arg0, %add3A_48, %dma_wait3A_64] : memref<2x10240x128xf32, #tpu.memory_space<hbm>> -> memref<1x128x128xf32, #tpu.memory_space<hbm>>
      %dma_wait3A_66 = tpu.memref_squeeze %dma_wait3A_65 : memref<1x128x128xf32, #tpu.memory_space<hbm>> -> memref<128x128xf32, #tpu.memory_space<hbm>>
      tpu.wait_dma2 semaphore(%run_scoped3A : memref<!tpu.dma_semaphore, #tpu.memory_space<semaphore_mem>>) src(%arg12 : memref<128x128xf32, #tpu.memory_space<vmem>>) dst(%dma_wait3A_66 : memref<128x128xf32, #tpu.memory_space<hbm>>)
      tpu.yield
    }) : () -> ()
    %add3A_49 = arith.constant 384 : i32
    %add3A_50 = arith.addi %mul3A_13, %add3A_49 : i32
    "tpu.region"() ({
      %run_scoped3A = tpu.sem_alloc : memref<!tpu.dma_semaphore, #tpu.memory_space<semaphore_mem>>
      %dma_start3A = arith.constant 0 : i32
      %dma_start3A_57 = tpu.memref_slice %arg9[%add3A_50, %dma_start3A] : memref<10240x128xf32, #tpu.memory_space<vmem_shared>> -> memref<128x128xf32, #tpu.memory_space<vmem_shared>>
      %dma_start3A_58 = arith.constant 0 : i32
      %dma_start3A_59 = tpu.memref_slice %arg9[%add3A_50, %dma_start3A_58] : memref<10240x128xf32, #tpu.memory_space<vmem_shared>> -> memref<128x128xf32, #tpu.memory_space<vmem_shared>>
      tpu.enqueue_dma source(%dma_start3A_59 : memref<128x128xf32, #tpu.memory_space<vmem_shared>>) target(%arg13 : memref<128x128xf32, #tpu.memory_space<vmem>>) target_semaphore(%run_scoped3A : memref<!tpu.dma_semaphore, #tpu.memory_space<semaphore_mem>>)
      %dma_wait3A = arith.constant 0 : i32
      %dma_wait3A_60 = tpu.memref_slice %arg9[%add3A_50, %dma_wait3A] : memref<10240x128xf32, #tpu.memory_space<vmem_shared>> -> memref<128x128xf32, #tpu.memory_space<vmem_shared>>
      %dma_wait3A_61 = arith.constant 0 : i32
      %dma_wait3A_62 = tpu.memref_slice %arg9[%add3A_50, %dma_wait3A_61] : memref<10240x128xf32, #tpu.memory_space<vmem_shared>> -> memref<128x128xf32, #tpu.memory_space<vmem_shared>>
      tpu.wait_dma2 semaphore(%run_scoped3A : memref<!tpu.dma_semaphore, #tpu.memory_space<semaphore_mem>>) src(%dma_wait3A_62 : memref<128x128xf32, #tpu.memory_space<vmem_shared>>) dst(%arg13 : memref<128x128xf32, #tpu.memory_space<vmem>>)
      tpu.yield
    }) : () -> ()
    %add3A_51 = arith.constant 384 : i32
    %add3A_52 = arith.addi %mul3A_13, %add3A_51 : i32
    "tpu.region"() ({
      %run_scoped3A = tpu.sem_alloc : memref<!tpu.dma_semaphore, #tpu.memory_space<semaphore_mem>>
      %dma_start3A = arith.constant 0 : i32
      %dma_start3A_57 = tpu.memref_slice %arg7[%arg0, %add3A_52, %dma_start3A] : memref<2x10240x128xf32, #tpu.memory_space<hbm>> -> memref<1x128x128xf32, #tpu.memory_space<hbm>>
      %dma_start3A_58 = tpu.memref_squeeze %dma_start3A_57 : memref<1x128x128xf32, #tpu.memory_space<hbm>> -> memref<128x128xf32, #tpu.memory_space<hbm>>
      %dma_start3A_59 = arith.constant 0 : i32
      %dma_start3A_60 = tpu.memref_slice %arg7[%arg0, %add3A_52, %dma_start3A_59] : memref<2x10240x128xf32, #tpu.memory_space<hbm>> -> memref<1x128x128xf32, #tpu.memory_space<hbm>>
      %dma_start3A_61 = tpu.memref_squeeze %dma_start3A_60 : memref<1x128x128xf32, #tpu.memory_space<hbm>> -> memref<128x128xf32, #tpu.memory_space<hbm>>
      tpu.enqueue_dma source(%arg13 : memref<128x128xf32, #tpu.memory_space<vmem>>) target(%dma_start3A_61 : memref<128x128xf32, #tpu.memory_space<hbm>>) target_semaphore(%run_scoped3A : memref<!tpu.dma_semaphore, #tpu.memory_space<semaphore_mem>>)
      %dma_wait3A = arith.constant 0 : i32
      %dma_wait3A_62 = tpu.memref_slice %arg7[%arg0, %add3A_52, %dma_wait3A] : memref<2x10240x128xf32, #tpu.memory_space<hbm>> -> memref<1x128x128xf32, #tpu.memory_space<hbm>>
      %dma_wait3A_63 = tpu.memref_squeeze %dma_wait3A_62 : memref<1x128x128xf32, #tpu.memory_space<hbm>> -> memref<128x128xf32, #tpu.memory_space<hbm>>
      %dma_wait3A_64 = arith.constant 0 : i32
      %dma_wait3A_65 = tpu.memref_slice %arg7[%arg0, %add3A_52, %dma_wait3A_64] : memref<2x10240x128xf32, #tpu.memory_space<hbm>> -> memref<1x128x128xf32, #tpu.memory_space<hbm>>
      %dma_wait3A_66 = tpu.memref_squeeze %dma_wait3A_65 : memref<1x128x128xf32, #tpu.memory_space<hbm>> -> memref<128x128xf32, #tpu.memory_space<hbm>>
      tpu.wait_dma2 semaphore(%run_scoped3A : memref<!tpu.dma_semaphore, #tpu.memory_space<semaphore_mem>>) src(%arg13 : memref<128x128xf32, #tpu.memory_space<vmem>>) dst(%dma_wait3A_66 : memref<128x128xf32, #tpu.memory_space<hbm>>)
      tpu.yield
    }) : () -> ()
    %add3A_53 = arith.constant 512 : i32
    %add3A_54 = arith.addi %mul3A_13, %add3A_53 : i32
    "tpu.region"() ({
      %run_scoped3A = tpu.sem_alloc : memref<!tpu.dma_semaphore, #tpu.memory_space<semaphore_mem>>
      %dma_start3A = arith.constant 0 : i32
      %dma_start3A_57 = tpu.memref_slice %arg9[%add3A_54, %dma_start3A] : memref<10240x128xf32, #tpu.memory_space<vmem_shared>> -> memref<128x128xf32, #tpu.memory_space<vmem_shared>>
      %dma_start3A_58 = arith.constant 0 : i32
      %dma_start3A_59 = tpu.memref_slice %arg9[%add3A_54, %dma_start3A_58] : memref<10240x128xf32, #tpu.memory_space<vmem_shared>> -> memref<128x128xf32, #tpu.memory_space<vmem_shared>>
      tpu.enqueue_dma source(%dma_start3A_59 : memref<128x128xf32, #tpu.memory_space<vmem_shared>>) target(%arg12 : memref<128x128xf32, #tpu.memory_space<vmem>>) target_semaphore(%run_scoped3A : memref<!tpu.dma_semaphore, #tpu.memory_space<semaphore_mem>>)
      %dma_wait3A = arith.constant 0 : i32
      %dma_wait3A_60 = tpu.memref_slice %arg9[%add3A_54, %dma_wait3A] : memref<10240x128xf32, #tpu.memory_space<vmem_shared>> -> memref<128x128xf32, #tpu.memory_space<vmem_shared>>
      %dma_wait3A_61 = arith.constant 0 : i32
      %dma_wait3A_62 = tpu.memref_slice %arg9[%add3A_54, %dma_wait3A_61] : memref<10240x128xf32, #tpu.memory_space<vmem_shared>> -> memref<128x128xf32, #tpu.memory_space<vmem_shared>>
      tpu.wait_dma2 semaphore(%run_scoped3A : memref<!tpu.dma_semaphore, #tpu.memory_space<semaphore_mem>>) src(%dma_wait3A_62 : memref<128x128xf32, #tpu.memory_space<vmem_shared>>) dst(%arg12 : memref<128x128xf32, #tpu.memory_space<vmem>>)
      tpu.yield
    }) : () -> ()
    %add3A_55 = arith.constant 512 : i32
    %add3A_56 = arith.addi %mul3A_13, %add3A_55 : i32
    "tpu.region"() ({
      %run_scoped3A = tpu.sem_alloc : memref<!tpu.dma_semaphore, #tpu.memory_space<semaphore_mem>>
      %dma_start3A = arith.constant 0 : i32
      %dma_start3A_57 = tpu.memref_slice %arg7[%arg0, %add3A_56, %dma_start3A] : memref<2x10240x128xf32, #tpu.memory_space<hbm>> -> memref<1x128x128xf32, #tpu.memory_space<hbm>>
      %dma_start3A_58 = tpu.memref_squeeze %dma_start3A_57 : memref<1x128x128xf32, #tpu.memory_space<hbm>> -> memref<128x128xf32, #tpu.memory_space<hbm>>
      %dma_start3A_59 = arith.constant 0 : i32
      %dma_start3A_60 = tpu.memref_slice %arg7[%arg0, %add3A_56, %dma_start3A_59] : memref<2x10240x128xf32, #tpu.memory_space<hbm>> -> memref<1x128x128xf32, #tpu.memory_space<hbm>>
      %dma_start3A_61 = tpu.memref_squeeze %dma_start3A_60 : memref<1x128x128xf32, #tpu.memory_space<hbm>> -> memref<128x128xf32, #tpu.memory_space<hbm>>
      tpu.enqueue_dma source(%arg12 : memref<128x128xf32, #tpu.memory_space<vmem>>) target(%dma_start3A_61 : memref<128x128xf32, #tpu.memory_space<hbm>>) target_semaphore(%run_scoped3A : memref<!tpu.dma_semaphore, #tpu.memory_space<semaphore_mem>>)
      %dma_wait3A = arith.constant 0 : i32
      %dma_wait3A_62 = tpu.memref_slice %arg7[%arg0, %add3A_56, %dma_wait3A] : memref<2x10240x128xf32, #tpu.memory_space<hbm>> -> memref<1x128x128xf32, #tpu.memory_space<hbm>>
      %dma_wait3A_63 = tpu.memref_squeeze %dma_wait3A_62 : memref<1x128x128xf32, #tpu.memory_space<hbm>> -> memref<128x128xf32, #tpu.memory_space<hbm>>
      %dma_wait3A_64 = arith.constant 0 : i32
      %dma_wait3A_65 = tpu.memref_slice %arg7[%arg0, %add3A_56, %dma_wait3A_64] : memref<2x10240x128xf32, #tpu.memory_space<hbm>> -> memref<1x128x128xf32, #tpu.memory_space<hbm>>
      %dma_wait3A_66 = tpu.memref_squeeze %dma_wait3A_65 : memref<1x128x128xf32, #tpu.memory_space<hbm>> -> memref<128x128xf32, #tpu.memory_space<hbm>>
      tpu.wait_dma2 semaphore(%run_scoped3A : memref<!tpu.dma_semaphore, #tpu.memory_space<semaphore_mem>>) src(%arg12 : memref<128x128xf32, #tpu.memory_space<vmem>>) dst(%dma_wait3A_66 : memref<128x128xf32, #tpu.memory_space<hbm>>)
      tpu.yield
    }) : () -> ()
    "tpu.region"() ({
      %run_scoped3A = tpu.sem_alloc : memref<!tpu.dma_semaphore, #tpu.memory_space<semaphore_mem>>
      %dma_start3A = arith.constant 0 : i32
      %dma_start3A_57 = tpu.memref_slice %arg8[%add3A, %dma_start3A] : memref<32x10240xf32, #tpu.memory_space<hbm>> -> memref<1x10240xf32, #tpu.memory_space<hbm>>
      %dma_start3A_58 = tpu.memref_squeeze %dma_start3A_57 : memref<1x10240xf32, #tpu.memory_space<hbm>> -> memref<10240xf32, #tpu.memory_space<hbm>>
      %dma_start3A_59 = arith.constant 0 : i32
      %dma_start3A_60 = tpu.memref_slice %arg8[%add3A, %dma_start3A_59] : memref<32x10240xf32, #tpu.memory_space<hbm>> -> memref<1x10240xf32, #tpu.memory_space<hbm>>
      %dma_start3A_61 = tpu.memref_squeeze %dma_start3A_60 : memref<1x10240xf32, #tpu.memory_space<hbm>> -> memref<10240xf32, #tpu.memory_space<hbm>>
      tpu.enqueue_dma source(%arg14 : memref<10240xf32, #tpu.memory_space<vmem>>) target(%dma_start3A_61 : memref<10240xf32, #tpu.memory_space<hbm>>) target_semaphore(%run_scoped3A : memref<!tpu.dma_semaphore, #tpu.memory_space<semaphore_mem>>)
      %dma_wait3A = arith.constant 0 : i32
      %dma_wait3A_62 = tpu.memref_slice %arg8[%add3A, %dma_wait3A] : memref<32x10240xf32, #tpu.memory_space<hbm>> -> memref<1x10240xf32, #tpu.memory_space<hbm>>
      %dma_wait3A_63 = tpu.memref_squeeze %dma_wait3A_62 : memref<1x10240xf32, #tpu.memory_space<hbm>> -> memref<10240xf32, #tpu.memory_space<hbm>>
      %dma_wait3A_64 = arith.constant 0 : i32
      %dma_wait3A_65 = tpu.memref_slice %arg8[%add3A, %dma_wait3A_64] : memref<32x10240xf32, #tpu.memory_space<hbm>> -> memref<1x10240xf32, #tpu.memory_space<hbm>>
      %dma_wait3A_66 = tpu.memref_squeeze %dma_wait3A_65 : memref<1x10240xf32, #tpu.memory_space<hbm>> -> memref<10240xf32, #tpu.memory_space<hbm>>
      tpu.wait_dma2 semaphore(%run_scoped3A : memref<!tpu.dma_semaphore, #tpu.memory_space<semaphore_mem>>) src(%arg14 : memref<10240xf32, #tpu.memory_space<vmem>>) dst(%dma_wait3A_66 : memref<10240xf32, #tpu.memory_space<hbm>>)
      tpu.yield
    }) : () -> ()
    return
  }
}

module attributes {stable_mosaic.version = 14 : i64} {
  func.func @_tc_body(%arg0: i32, %arg1: memref<1024x128xf32, #tpu.memory_space<vmem>>, %arg2: memref<2x1024x128xf32, #tpu.memory_space<vmem>>, %arg3: memref<32x1024xf32, #tpu.memory_space<vmem>>, %arg4: memref<128x128xf32, #tpu.memory_space<vmem>>, %arg5: memref<128x128xf32, #tpu.memory_space<vmem>>, %arg6: memref<1x128xf32, #tpu.memory_space<vmem>>, %arg7: memref<1024x128xf32, #tpu.memory_space<vmem>>) attributes {dimension_semantics = [#tpu.dimension_semantics<arbitrary>], iteration_bounds = array<i64: 10>, scalar_prefetch = 0 : i64, scratch_operands = 0 : i64, tpu.core_type = #tpu.core_type<tc>, window_params = [{transform_indices = @transform_0, window_bounds = array<i64: 1024, 128>}, {transform_indices = @transform_1, window_bounds = array<i64: 2, 1024, 128>}, {transform_indices = @transform_2, window_bounds = array<i64: 32, 1024>}, {pipeline_mode = #tpu.pipeline_mode<synchronous>, transform_indices = @transform_3, window_bounds = array<i64: 128, 128>}, {pipeline_mode = #tpu.pipeline_mode<synchronous>, transform_indices = @transform_4, window_bounds = array<i64: 128, 128>}, {pipeline_mode = #tpu.pipeline_mode<synchronous>, transform_indices = @transform_5, window_bounds = array<i64: 1, 128>}, {transform_indices = @transform_6, window_bounds = array<i64: 1024, 128>}]} {
    %get3A = arith.constant 0 : index
    %get3A_0 = arith.constant 0 : index
    %get3A_1 = vector.load %arg1[%get3A, %get3A_0] : memref<1024x128xf32, #tpu.memory_space<vmem>>, vector<1024x128xf32>
    %get3A_2 = arith.constant 0 : index
    %get3A_3 = arith.constant 0 : index
    %get3A_4 = arith.constant 0 : index
    %get3A_5 = vector.load %arg2[%get3A_2, %get3A_3, %get3A_4] : memref<2x1024x128xf32, #tpu.memory_space<vmem>>, vector<1x1024x128xf32>
    %get3A_6 = vector.shape_cast %get3A_5 : vector<1x1024x128xf32> to vector<1024x128xf32>
    %get3A_7 = arith.constant 1 : index
    %get3A_8 = arith.constant 0 : index
    %get3A_9 = arith.constant 0 : index
    %get3A_10 = vector.load %arg2[%get3A_7, %get3A_8, %get3A_9] : memref<2x1024x128xf32, #tpu.memory_space<vmem>>, vector<1x1024x128xf32>
    %get3A_11 = vector.shape_cast %get3A_10 : vector<1x1024x128xf32> to vector<1024x128xf32>
    %add3A = arith.addf %get3A_6, %get3A_11 : vector<1024x128xf32>
    %get3A_12 = arith.constant 0 : index
    %get3A_13 = arith.constant 0 : index
    %get3A_14 = vector.load %arg3[%get3A_12, %get3A_13] : memref<32x1024xf32, #tpu.memory_space<vmem>>, vector<32x1024xf32>
    %reduce_sum3A = arith.constant dense<0.000000e+00> : vector<1024xf32>
    %reduce_sum3A_15 = vector.multi_reduction <add>, %get3A_14, %reduce_sum3A [0] : vector<32x1024xf32> to vector<1024xf32>
    %broadcast_in_dim3A = vector.shape_cast %reduce_sum3A_15 : vector<1024xf32> to vector<1024x1xf32>
    %max3A = arith.constant 1.000000e+00 : f32
    %max3A_16 = vector.broadcast %max3A : f32 to vector<1024x1xf32>
    %max3A_17 = arith.maximumf %broadcast_in_dim3A, %max3A_16 : vector<1024x1xf32>
    %div3A = vector.broadcast %max3A_17 : vector<1024x1xf32> to vector<1024x128xf32>
    %div3A_18 = arith.divf %add3A, %div3A : vector<1024x128xf32>
    %get3A_19 = arith.constant 0 : index
    %get3A_20 = arith.constant 0 : index
    %get3A_21 = vector.load %arg4[%get3A_19, %get3A_20] : memref<128x128xf32, #tpu.memory_space<vmem>>, vector<128x128xf32>
    %dot_general3A = arith.constant dense<0.000000e+00> : vector<1024x128xf32>
    %dot_general3A_22 = tpu.matmul %get3A_1, %get3A_21, %dot_general3A {dimension_numbers = #tpu.dot_dimension_numbers<[1], [0], [0], [1], [0, 0, 1, 1], [], []>, transpose_lhs_hint = false} : vector<1024x128xf32>, vector<128x128xf32>, vector<1024x128xf32> -> vector<1024x128xf32>
    %get3A_23 = arith.constant 0 : index
    %get3A_24 = arith.constant 0 : index
    %get3A_25 = vector.load %arg5[%get3A_23, %get3A_24] : memref<128x128xf32, #tpu.memory_space<vmem>>, vector<128x128xf32>
    %dot_general3A_26 = arith.constant dense<0.000000e+00> : vector<1024x128xf32>
    %dot_general3A_27 = tpu.matmul %div3A_18, %get3A_25, %dot_general3A_26 {dimension_numbers = #tpu.dot_dimension_numbers<[1], [0], [0], [1], [0, 0, 1, 1], [], []>, transpose_lhs_hint = false} : vector<1024x128xf32>, vector<128x128xf32>, vector<1024x128xf32> -> vector<1024x128xf32>
    %add3A_28 = arith.addf %dot_general3A_22, %dot_general3A_27 : vector<1024x128xf32>
    %get3A_29 = arith.constant 0 : index
    %get3A_30 = arith.constant 0 : index
    %get3A_31 = vector.load %arg6[%get3A_29, %get3A_30] : memref<1x128xf32, #tpu.memory_space<vmem>>, vector<1x128xf32>
    %add3A_32 = vector.broadcast %get3A_31 : vector<1x128xf32> to vector<1024x128xf32>
    %add3A_33 = arith.addf %add3A_28, %add3A_32 : vector<1024x128xf32>
    %max3A_34 = arith.constant 0.000000e+00 : f32
    %max3A_35 = vector.broadcast %max3A_34 : f32 to vector<1024x128xf32>
    %max3A_36 = arith.maximumf %add3A_33, %max3A_35 : vector<1024x128xf32>
    %add3A_37 = arith.addf %get3A_1, %max3A_36 : vector<1024x128xf32>
    %swap3A = arith.constant 0 : index
    %swap3A_38 = arith.constant 0 : index
    %swap3A_39 = vector.load %arg7[%swap3A, %swap3A_38] : memref<1024x128xf32, #tpu.memory_space<vmem>>, vector<1024x128xf32>
    tpu.vector_store %arg7[%swap3A, %swap3A_38], %add3A_37 {strides = array<i32>} : memref<1024x128xf32, #tpu.memory_space<vmem>>, vector<1024x128xf32>,
    return
  }
  func.func @transform_0(%arg0: i32) -> (i32, i32) {
    %c0_i32 = arith.constant 0 : i32
    %c0_i32_0 = arith.constant 0 : i32
    return %arg0, %c0_i32 : i32, i32
  }
  func.func @transform_1(%arg0: i32) -> (i32, i32, i32) {
    %c0_i32 = arith.constant 0 : i32
    %c0_i32_0 = arith.constant 0 : i32
    %c0_i32_1 = arith.constant 0 : i32
    return %c0_i32, %arg0, %c0_i32_0 : i32, i32, i32
  }
  func.func @transform_2(%arg0: i32) -> (i32, i32) {
    %c0_i32 = arith.constant 0 : i32
    %c0_i32_0 = arith.constant 0 : i32
    return %c0_i32, %arg0 : i32, i32
  }
  func.func @transform_3(%arg0: i32) -> (i32, i32) {
    %c0_i32 = arith.constant 0 : i32
    %c0_i32_0 = arith.constant 0 : i32
    %c0_i32_1 = arith.constant 0 : i32
    return %c0_i32, %c0_i32_0 : i32, i32
  }
  func.func @transform_4(%arg0: i32) -> (i32, i32) {
    %c0_i32 = arith.constant 0 : i32
    %c0_i32_0 = arith.constant 0 : i32
    %c0_i32_1 = arith.constant 0 : i32
    return %c0_i32, %c0_i32_0 : i32, i32
  }
  func.func @transform_5(%arg0: i32) -> (i32, i32) {
    %c0_i32 = arith.constant 0 : i32
    %c0_i32_0 = arith.constant 0 : i32
    %c0_i32_1 = arith.constant 0 : i32
    return %c0_i32, %c0_i32_0 : i32, i32
  }
  func.func @transform_6(%arg0: i32) -> (i32, i32) {
    %c0_i32 = arith.constant 0 : i32
    %c0_i32_0 = arith.constant 0 : i32
    return %arg0, %c0_i32 : i32, i32
  }
}

</mosaic_0001>

<sc_bundles>
// kernel: kernel.4.cloned.1.call-start
scs
__scs_entry_jumppad:
0x0: {  	(pc) =	sbr.rel $0x88, $3  }
0x1: {  	(tag) =	ssettag $0x0;
	lr =	simm.s32 $0x1  }
0x2: {  	[smem:$0x3F9C] =	sst lr;
	_ =	strace $0xD0000000  }
0x3: {  	_ = 	snop  }
0x4: {  	_ = 	snop  }
0x5: {  	_ = 	snop  }
0x6: {  	_ = 	snop  }
0x7: {  	_ = 	snop  }
__scs_overlays_trampoline_lowered:
0x8: {  	[smem:$0x3FAB] =	sst s0  }
0x9: {  	[smem:$0x3FAC] =	sst s1  }
0xa: {  	[smem:$0x3FAD] =	sst s2  }
0xb: {  	[smem:$0x3FAE] =	sst s3  }
0xc: {  	[smem:$0x3FAF] =	sst s4  }
0xd: {  	[smem:$0x3FB0] =	sst s5  }
0xe: {  	[smem:$0x3FB1] =	sst s6  }
0xf: {  	[smem:$0x3FB2] =	sst s7  }
0x10: {  	[smem:$0x3FB3] =	sst s8  }
0x11: {  	[smem:$0x3FB4] =	sst s9;
	s0 =	simm.s32 @!p0 $0x0  }
0x12: {  	s1 =	sld [smem:$0x3F9A];
	s0 =	simm.s32 @p0 $0x1  }
0x13: {  	[smem:$0x3FB5] =	sst s0;
	s0 =	simm.s32 @!p1 $0x0  }
0x14: {  	s2 =	sld [smem:$0x3F99];
	s0 =	simm.s32 @p1 $0x1  }
0x15: {  	[smem:$0x3FB6] =	sst s0;
	s0 =	simm.s32 @!p2 $0x0  }
0x16: {  	s3 =	sld [smem:$0x3FDB];
	s0 =	simm.s32 @p2 $0x1  }
0x17: {  	s4 =	simm.s32 $0x1BF5;
	[smem:$0x3FB8] =	sst s0  }
0x18: {  	s0 =	sld [smem:$0x3F9B];
	_ =	swait.ge [sflag:s4], $0x0  }
0x19: {  	s7 =	sld [smem:$0x3F9C]  }
0x1a: {  	s8 =	sadd.s32 $0xFFFFE003, lr  }
0x1b: {  	s9 =	sadd.s32 $0xFFFFFEF7, lr;
	s5 =	simm.s32 $0xFFFFFFFF;
	p2 =	slt.u32 s8, $0xFFFFF086  }
0x1c: {  	p1 =	slt.u32 s9, $0xF7A;
	s5 =	simm.s32 @!p2 $0x0  }
0x1d: {  	s5 =	simm.s32 @p1 $0x1;
	p0 =	seq.s32 s7, s2  }
0x1e: {  	s7 =	smul.u32 @!p0 $0xF7A, s2;
	p2 =	seq.s32 @!p0 s5, $0x0  }
0x1f: {  	s9 =	smul.u32 $0xF7A, s1;
	s8 =	simm.s32 @!p0 $0x1BF5;
	p2 =	por !p2, p0  }
0x20: {  	[sflag:s8] =	ssyncset.s32 @!p0 $0xFFFFF086;
	s6 =	sadd.s32 @!p0 s3, s7;
	s7 =	simm.s32 @!p0 $0x108  }
0x21: {  	s3 =	sadd.s32 s3, s9;
	s6 =	sadd.s32 @!p0 $0x88, s6;
	s7 =	simm.s32 @p2 $0x1082  }
0x22: {  	[simem:s7], [sflag:s8] =	dma.local @!p0 [hbm:s6], $0xF7A  }
0x23: {  	s9 =	sor.u32 $0xD0000000, s2;
	s6 =	simm.s32 $0x108;
	_ =	swait.ge @!p0 [sflag:s8], $0x0  }
0x24: {  	s3 =	sadd.s32 $0x88, s3;
	s6 =	simm.s32 @!p1 $0x1082;
	[sflag:s4] =	ssyncset.s32 $0xFFFFF086  }
0x25: {  	[simem:s6], [sflag:s4] =	dma.local [hbm:s3], $0xF7A  }
0x26: {  	[smem:$0x3F9C] =	sst s1;
	(tag) =	ssettag s2;
	_ =	strace s9  }
0x27: {  	s1 =	sld [smem:$0x3FAC]  }
0x28: {  	s2 =	sld [smem:$0x3FAD]  }
0x29: {  	s4 =	sld [smem:$0x3FAF]  }
0x2a: {  	p0 =	seq.s32 s5, $0x0;
	s5 =	sld [smem:$0x3FB0]  }
0x2b: {  	s6 =	sld [smem:$0x3FB1]  }
0x2c: {  	s7 =	sld [smem:$0x3FB2]  }
0x2d: {  	s3 =	simm.s32 $0x108;
	s8 =	sld [smem:$0x3FB3]  }
0x2e: {  	s3 =	simm.s32 @!p0 $0x1082;
	s9 =	sld [smem:$0x3FB4]  }
0x2f: {  	lr =	sadd.s32 s0, s3;
	s0 =	sld [smem:$0x3FAB]  }
0x30: {  	s3 =	sld [smem:$0x3FAE]  }
0x31: {  	[smem:$0x3FB7] =	sst s10  }
0x32: {  	s10 =	sld [smem:$0x3FB5];
	_ =	sdelay $0x3  }
0x33: {  	p0 =	seq.s32 s10, $0x1;
	s10 =	sld [smem:$0x3FB7];
	_ =	sdelay $0x3  }
0x34: {  	[smem:$0x3FB7] =	sst s10  }
0x35: {  	s10 =	sld [smem:$0x3FB6];
	_ =	sdelay $0x3  }
0x36: {  	p1 =	seq.s32 s10, $0x1;
	s10 =	sld [smem:$0x3FB7];
	_ =	sdelay $0x3  }
0x37: {  	[smem:$0x3FB7] =	sst s10  }
0x38: {  	s10 =	sld [smem:$0x3FB8]  }
0x39: {  	_ = 	snop;
	(pc) =	sbr.ind lr, $3  }
0x3a: {  	_ = 	snop  }
0x3b: {  	_ = 	snop  }
0x3c: {  	p2 =	seq.s32 s10, $0x1;
	s10 =	sld [smem:$0x3FB7]  }
0x3d: {  	_ =	shalt  }
0x3e: {  	_ =	shalt  }
0x3f: {  	_ =	shalt  }
0x40: {  	_ =	shalt  }
0x41: {  	_ =	shalt  }
0x42: {  	_ =	shalt  }
0x43: {  	_ =	shalt  }
0x44: {  	_ =	shalt  }
0x45: {  	_ =	shalt  }
0x46: {  	_ =	shalt  }
0x47: {  	_ =	shalt  }
0x48: {  	_ =	shalt  }
0x49: {  	_ =	shalt  }
0x4a: {  	_ =	shalt  }
0x4b: {  	_ =	shalt  }
0x4c: {  	_ =	shalt  }
0x4d: {  	_ =	shalt  }
0x4e: {  	_ =	shalt  }
0x4f: {  	_ =	shalt  }
0x50: {  	_ =	shalt  }
0x51: {  	_ =	shalt  }
0x52: {  	_ =	shalt  }
0x53: {  	_ =	shalt  }
0x54: {  	_ =	shalt  }
0x55: {  	_ =	shalt  }
0x56: {  	_ =	shalt  }
0x57: {  	_ =	shalt  }
0x58: {  	_ =	shalt  }
0x59: {  	_ =	shalt  }
0x5a: {  	_ =	shalt  }
0x5b: {  	_ =	shalt  }
0x5c: {  	_ =	shalt  }
0x5d: {  	_ =	shalt  }
0x5e: {  	_ =	shalt  }
0x5f: {  	_ =	shalt  }
0x60: {  	_ =	shalt  }
0x61: {  	_ =	shalt  }
0x62: {  	_ =	shalt  }
0x63: {  	_ =	shalt  }
0x64: {  	_ =	shalt  }
0x65: {  	_ =	shalt  }
0x66: {  	_ =	shalt  }
0x67: {  	_ =	shalt  }
0x68: {  	_ =	shalt  }
0x69: {  	_ =	shalt  }
0x6a: {  	_ =	shalt  }
0x6b: {  	_ =	shalt  }
0x6c: {  	_ =	shalt  }
0x6d: {  	_ =	shalt  }
0x6e: {  	_ =	shalt  }
0x6f: {  	_ =	shalt  }
0x70: {  	_ =	shalt  }
0x71: {  	_ =	shalt  }
0x72: {  	_ =	shalt  }
0x73: {  	_ =	shalt  }
0x74: {  	_ =	shalt  }
0x75: {  	_ =	shalt  }
0x76: {  	_ =	shalt  }
0x77: {  	_ =	shalt  }
0x78: {  	_ =	shalt  }
0x79: {  	_ =	shalt  }
0x7a: {  	_ =	shalt  }
0x7b: {  	_ =	shalt  }
0x7c: {  	_ =	shalt  }
0x7d: {  	_ =	shalt  }
0x7e: {  	_ =	shalt  }
0x7f: {  	_ =	shalt  }
0x80: {  	_ =	shalt  }
0x81: {  	_ =	shalt  }
0x82: {  	_ =	shalt  }
0x83: {  	_ =	shalt  }
0x84: {  	_ =	shalt  }
0x85: {  	_ =	shalt  }
0x86: {  	_ =	shalt  }
0x87: {  	_ =	shalt  }
.Lfunc_end0:
.L_simem_size_0:
called_computation_lowered:
.L_overlay_start_0:
0x88: {  	s2 =	sld [smem:$0x3FD9]  }
0x89: {  	s3 =	sld [smem:$0x3FFE];
	_ =	sdelay $0x1  }
0x8a: {  	s1 =	srdreg.scid  }
0x8b: {  	s0 =	sand.u32 $0x1, s1  }
0x8c: {  	s17 =	sshll.u32 s0, $0xA;
	s2 =	sadd.s32 s3, s2  }
0x8d: {  	s2 =	sadd.s32 s2, s17  }
0x8e: {  	[smem:$0x3FC3] =	sst s2  }
0x8f: {  	_ = 	snop  }
0x90: {  	s2 =	sld [smem:$0x3FC9]  }
0x91: {  	s18 =	sld [smem:$0x3FD0];
	(tm) =	ssettm $0x1  }
0x92: {  	s4 =	sld [smem:$0x3FFB];
	_ =	sdelay $0x3  }
0x93: {  	_ =	strace s4  }
0x94: {  	s4 =	sld [smem:$0x3FFC];
	_ =	sdelay $0x3  }
0x95: {  	_ =	strace s4  }
0x96: {  	s4 =	sld [smem:$0x3FFD];
	_ =	sdelay $0x3  }
0x97: {  	_ =	strace s4  }
0x98: {  	_ =	strace $0x8FFFFFFF  }
0x99: {  	s19 =	sld [smem:$0x3FDB];
	_ =	sdelay $0x1  }
0x9a: {  	s5 =	simm.s32 $_scs_section_size  }
0x9b: {  	s6 =	simm.s32 $_size__tile_overlayer_lowered;
	s7 =	simm.s32 $_tile_overlayer_lowered  }
0x9c: {  	s22 =	simm.s32 $0x1BFF;
	s21 =	sshll.u32 s7, $0x1;
	s4 =	sadd.s32 s5, s19  }
0x9d: {  	s8 =	simm.s32 $0x0;
	s20 =	sshll.u32 s6, $0x1;
	s6 =	sadd.s32 s21, s4  }
0x9e: {  	[timem:s8], [sflag:s22] =	dma.local [hbm:s6], s20  }
0x9f: {  	_ =	swait.ge [sflag:s22], s20  }
0xa0: {  	s5 =	ssub.s32 $0x0, s20;
	[sflag:s22] =	ssyncset.done $0x0  }
0xa1: {  	[sflag:s22] =	ssyncadd.s32 s5;
	_ =	sdelay $0x1  }
0xa2: {  	s23 =	simm.s32 $0x1B8B  }
0xa3: {  	_ =	swait.ge [sflag:s23], $0x1  }
0xa4: {  	[sflag:s23] =	ssyncset.done $0x0  }
0xa5: {  	s25 =	simm.s32 $0x1B8E;
	s24 =	sld [smem:$0x3FFE];
	[sflag:s23] =	ssyncadd.s32 $0xFFFFFFFF  }
0xa6: {  	s26 =	simm.s32 $execute0_lowered;
	[smem:$0x3FD2] =	sst s25  }
0xa7: {  	s6 =	sshll.u32 s26, $0x1;
	_ =	strace $0x80000046;
	[dreg:$0x1] =	wrdreg $0xFFFFFFFF  }
0xa8: {  	s28 =	simm.s32 $_size_execute0_lowered;
	s4 =	sadd.s32 s4, s6;
	[dreg:$0x0] =	wrdreg $0x0  }
0xa9: {  	s6 =	sshll.u32 s28, $0x1;
	[dreg:$0x2] =	wrdreg s4  }
0xaa: {  	[dreg:$0x3] =	wrdreg s6  }
0xab: {  	[dreg:$0x4] =	wrdreg $0xC0  }
0xac: {  	_ =	task [dreg:s8], $0x5FFFF  }
0xad: {  	[dreg:$0x1] =	wrdreg $0xFFFFFFFF  }
0xae: {  	[dreg:$0x0] =	wrdreg $0x60  }
0xaf: {  	[dreg:$0x2] =	wrdreg s18  }
0xb0: {  	[dreg:$0x3] =	wrdreg s24  }
0xb1: {  	[dreg:$0x4] =	wrdreg s2  }
0xb2: {  	[dreg:$0x5] =	wrdreg $0x0  }
0xb3: {  	[dreg:$0x6] =	wrdreg $0x9  }
0xb4: {  	_ =	task.clear_ibuf [dreg:s8], $0x7FFFF;
	_ =	strace $0x90000046  }
0xb5: {  	s29 =	simm.s32 $0x9;
	_ =	strace $0x80000048  }
0xb6: {  	_ =	swait.ge [sflag:s29], $0x1  }
0xb7: {  	[sflag:s29] =	ssyncadd.s32 $0xFFFFFFFF  }
0xb8: {  	_ =	strace $0x90000048  }
0xb9: {  	_ =	sfence  }
0xba: {  	s30 =	sld [smem:$0x0];
	_ =	sdelay $0x2  }
0xbb: {  	s31 =	sshll.u32 s1, $0xD;
	s1 =	sshrl.u32 s1, $0x2  }
0xbc: {  	s3 =	sand.u32 $0x4000, s31;
	s1 =	sadd.s32 s1, s30  }
0xbd: {  	s0 =	sor.u32 s3, s0;
	s1 =	sshll.u32 s1, $0x11  }
0xbe: {  	s0 =	sor.u32 s1, s0  }
0xbf: {  	s0 =	sadd.s32 $0x8F2B, s0  }
0xc0: {  	[sflag:s0] =	ssyncadd.remote.s32 $0x1  }
0xc1: {  	_ =	sfence.sel $0xFFFF  }
0xc2: {  	[dreg:$0x0] =	wrdreg $0xFFFFFFFF;
	(pc) =	sbr.abs _section_cstart, $3  }
0xc3: {  	[dreg:$0x1] =	wrdreg $0xFFFFFFFF  }
0xc4: {  	_ =	task.clear_ibuf [dreg:s8], $0x2FFFF;
	_ =	strace $0x9FFFFFFF  }
0xc5: {  	(tm) =	ssettm $0x7FFFFFFF  }
tec
execute0_lowered:
.L_overlay_start_1:
0x0: {  	(tag) =	ssettag $0x1  }
0x1: {  	s1 =	rddreg [dreg:$0x0]  }
0x2: {  	s0 =	rddreg [dreg:$0x1]  }
0x3: {  	s2 =	rddreg [dreg:$0x2]  }
0x4: {  	s3 =	rddreg [dreg:$0x3];
	s4 =	srdreg.scid  }
0x5: {  	s5 =	simm.s32 $0x0;
	s13 =	stileid.u32;
	s28 =	simm.s32 $0x14800  }
0x6: {  	s29 =	simm.s32 $0x80;
	s30 =	simm.s32 $0x1;
	s31 =	simm.s32 $0x2  }
0x7: {  	s4 =	sand.u32 $0x1, s4;
	[smem:$0x7FF] =	sst s5;
	s21 =	smul.u32 $0x50000, s13  }
0x8: {  	s9 =	sshll.u32 s13, $0x7;
	s10 =	sadd.s32 $0xB400, s0;
	s14 =	smul.u32 $0x14000, s13  }
0x9: {  	s15 =	sadd.s32 $0xC200, s0;
	s6 =	sshll.u32 s4, $0x4;
	_ =	strace $0x80000047  }
0xa: {  	[dreg:$0x5] =	wrdreg s10;
	s9 =	sand.u32 $0x380, s9;
	s20 =	ssub.s32 $0x2, s4  }
0xb: {  	p0 =	seq.s32 s4, $0x0;
	s4 =	smul.u32 $0x140000, s4;
	s6 =	sor.u32 s13, s6  }
0xc: {  	s11 =	sshrl.u32 s20, $0x1;
	s22 =	sshrl.u32 s21, $0x2;
	s16 =	sadd.s32 $0x4000, s14  }
0xd: {  	s17 =	sadd.s32 $0x8000, s14;
	s18 =	sadd.s32 $0xC000, s14;
	s19 =	sadd.s32 $0x10000, s14  }
0xe: {  	s7 =	sshrl.u32 s6, $0x3;
	s6 =	sadd.s32 $0x1400, s0;
	s10 =	sadd.s32 s16, s3  }
0xf: {  	s12 =	sadd.s32 s18, s3;
	s21 =	sadd.s32 s14, s4;
	s16 =	sadd.s32 s4, s16  }
0x10: {  	s24 =	sadd.s32 s4, s17;
	s25 =	sadd.s32 s4, s18;
	s4 =	sadd.s32 s4, s19  }
0x11: {  	s8 =	smul.u32 $0x14000, s7;
	s7 =	sadd.s32 $0xBA00, s0;
	s21 =	sshrl.u32 s21, $0x3  }
0x12: {  	s16 =	sshrl.u32 s16, $0x3;
	s18 =	sshrl.u32 s25, $0x3;
	s4 =	sshrl.u32 s4, $0x3  }
0x13: {  	s25 =	simm.s32 $0x1D000;
	s23 =	sadd.s32 s15, s21;
	s16 =	sadd.s32 s15, s16  }
0x14: {  	s26 =	sadd.s32 s15, s18;
	s8 =	sor.u32 s9, s8;
	[dreg:$0x6] =	wrdreg s23  }
0x15: {  	s9 =	sadd.s32 s22, s3;
	[dreg:$0x7] =	wrdreg s16;
	s16 =	sshrl.u32 s24, $0x3  }
0x16: {  	[dreg:$0x9] =	wrdreg s26;
	s22 =	simm.s32 $0x15000;
	s23 =	simm.s32 $0x5  }
0x17: {  	s24 =	simm.s32 $0x19000;
	s26 =	simm.s32 $0x14000;
	s8 =	sshrl.u32 s8, $0x3  }
0x18: {  	s16 =	sadd.s32 s15, s16;
	s0 =	sadd.s32 s8, s0;
	s8 =	ssub.s32 s20, s11  }
0x19: {  	s11 =	sadd.s32 s17, s3;
	s20 =	smul.u32 $0x2800, s13;
	s13 =	sadd.s32 s19, s3  }
0x1a: {  	[dreg:$0x8] =	wrdreg s16;
	s19 =	sadd.s32 s15, s4;
	s4 =	simm.s32 $0x4  }
0x1b: {  	s21 =	smax.u32 s8, $0x1;
	s8 =	simm.s32 $0x0;
	s14 =	sadd.s32 $0x28000, s20  }
0x1c: {  	v0 =	vimm.f32 $1.000000000e+00;
	s14 =	smov.u32 @p0 s20;
	s20 =	sadd.s32 $0x5C200, s0;
	s0 =	simm.s32 $0x3  }
.LBB2_1:
0x1d: {  	[tilespmem:s22], [sflag:$0x5] =	stream.linear.gather [hbm4b:s7+s5], $0x4000, $0x38;
	[tilespmem:$0x1F800] =	vst v63  }
0x1e: {  	_ =	swait.ge [sflag:s23], $0x4000  }
0x1f: {  	[sflag:s23] =	ssyncset.done $0x0  }
0x20: {  	[sflag:s23] =	ssyncadd.s32 $0xFFFFC000  }
0x21: {  	[tilespmem:s24], [sflag:$0x5] =	stream.linear.gather [hbm4b:s7+s5], $0x4000, $0x38;
	[tilespmem:$0x1F800] =	vst v63  }
0x22: {  	_ =	swait.ge [sflag:s23], $0x4000  }
0x23: {  	[sflag:s23] =	ssyncset.done $0x0  }
0x24: {  	[sflag:s23] =	ssyncadd.s32 $0xFFFFC000  }
0x25: {  	[spmem:s9] =	stream.linear.scatter [tilespmem:s22], [sflag:$0x5], $0x4000, $0x38;
	[tilespmem:$0x1F800] =	vst v63  }
0x26: {  	_ =	swait.ge [sflag:s23], $0x4000  }
0x27: {  	[sflag:s23] =	ssyncset.done $0x0  }
0x28: {  	[sflag:s23] =	ssyncadd.s32 $0xFFFFC000  }
0x29: {  	[spmem:s10] =	stream.linear.scatter [tilespmem:s24], [sflag:$0x5], $0x4000, $0x38;
	[tilespmem:$0x1F800] =	vst v63  }
0x2a: {  	_ =	swait.ge [sflag:s23], $0x4000  }
0x2b: {  	[sflag:s23] =	ssyncset.done $0x0  }
0x2c: {  	[sflag:s23] =	ssyncadd.s32 $0xFFFFC000  }
0x2d: {  	[spmem:s11] =	stream.linear.scatter [tilespmem:s22], [sflag:$0x5], $0x4000, $0x38;
	[tilespmem:$0x1F800] =	vst v63  }
0x2e: {  	_ =	swait.ge [sflag:s23], $0x4000  }
0x2f: {  	[sflag:s23] =	ssyncset.done $0x0  }
0x30: {  	[sflag:s23] =	ssyncadd.s32 $0xFFFFC000  }
0x31: {  	[spmem:s12] =	stream.linear.scatter [tilespmem:s24], [sflag:$0x5], $0x4000, $0x38;
	[tilespmem:$0x1F800] =	vst v63  }
0x32: {  	_ =	swait.ge [sflag:s23], $0x4000  }
0x33: {  	[sflag:s23] =	ssyncset.done $0x0  }
0x34: {  	[sflag:s23] =	ssyncadd.s32 $0xFFFFC000  }
0x35: {  	[spmem:s13] =	stream.linear.scatter [tilespmem:s22], [sflag:$0x5], $0x4000, $0x38;
	[tilespmem:$0x1F800] =	vst v63  }
0x36: {  	_ =	swait.ge [sflag:s23], $0x4000  }
0x37: {  	[sflag:s23] =	ssyncset.done $0x0  }
0x38: {  	s15 =	rddreg [dreg:$0x5];
	[sflag:s23] =	ssyncadd.s32 $0xFFFFC000  }
0x39: {  	[tilespmem:s25], [sflag:$0x5] =	stream.linear.gather [hbm4b:s15+s5], $0x2800, $0x38;
	[tilespmem:$0x1F800] =	vst v63  }
0x3a: {  	_ =	swait.ge [sflag:s23], $0x2800  }
0x3b: {  	[sflag:s23] =	ssyncset.done $0x0  }
0x3c: {  	[sflag:s23] =	ssyncadd.s32 $0xFFFFD800  }
0x3d: {  	s15 =	simm.s32 $0x0;
	[bflag:$0x0] =	sbarrier.arrive $0xFFFF  }
.LBB2_2:
0x3e: {  	s16 =	sshll.u32 s15, $0xB  }
0x3f: {  	s16 =	sadd.s32 s14, s16  }
0x40: {  	s17 =	sshrl.u32 s16, $0x3  }
0x41: {  	s16 =	simm.s32 $0x0;
	s18 =	sadd.s32 s1, s17  }
0x42: {  	[tilespmem:s26], [sflag:$0x5] =	stream.linear.gather [hbm4b:s18+s16], $0x800, $0x38;
	[tilespmem:$0x1F800] =	vst v63  }
0x43: {  	_ =	swait.ge [sflag:s23], $0x800  }
0x44: {  	[sflag:s23] =	ssyncset.done $0x0  }
0x45: {  	s17 =	sadd.s32 s6, s17;
	[sflag:s23] =	ssyncadd.s32 $0xFFFFF800  }
0x46: {  	[tilespmem:s28], [sflag:$0x5] =	stream.linear.gather [hbm4b:s17+s16], $0x800, $0x38;
	[tilespmem:$0x1F800] =	vst v63  }
0x47: {  	_ =	swait.ge [sflag:s23], $0x800  }
0x48: {  	[sflag:s23] =	ssyncset.done $0x0  }
0x49: {  	[sflag:s23] =	ssyncadd.s32 $0xFFFFF800  }
.LBB2_3:
0x4a: {  	s17 =	sshra.s32 s16, $0x2  }
0x4b: {  	s18 =	sadd.s32 $0x14000, s17  }
0x4c: {  	[tilespmem:s22], [sflag:$0x1] =	stream.indirect.gather [hbm4b:s2+s29], $0x80, s18, s29, $0xb8;
	[tilespmem:$0x1F800] =	vst v63  }
0x4d: {  	s18 =	sadd.s32 $0x14080, s17  }
0x4e: {  	[tilespmem:s24], [sflag:$0x2] =	stream.indirect.gather [hbm4b:s2+s29], $0x80, s18, s29, $0xb8;
	[tilespmem:$0x1F800] =	vst v63  }
0x4f: {  	_ =	swait.ge [sflag:s30], $0x4000  }
0x50: {  	[sflag:s30] =	ssyncset.done $0x0  }
0x51: {  	s18 =	sadd.s32 $0x14800, s17;
	[sflag:s30] =	ssyncadd.s32 $0xFFFFC000  }
0x52: {  	[spmem:s3] =	stream.indirect.scatter.add.f32 [tilespmem:s22], [sflag:$0x3], $0x80, s18, s29, $0xb8;
	[tilespmem:$0x1F800] =	vst v63  }
0x53: {  	v1 =	vld [tilespmem:s17+$0x14800];
	_ =	sdelay $0x7  }
0x54: {  	[tilespmem:v1+s25+$0x0] =	vst.idx.add.f32.msk $0xffff, v0  }
0x55: {  	v1 =	vld [tilespmem:s17+$0x14810];
	_ =	sdelay $0x7  }
0x56: {  	[tilespmem:v1+s25+$0x0] =	vst.idx.add.f32.msk $0xffff, v0  }
0x57: {  	v1 =	vld [tilespmem:s17+$0x14820];
	_ =	sdelay $0x7  }
0x58: {  	[tilespmem:v1+s25+$0x0] =	vst.idx.add.f32.msk $0xffff, v0  }
0x59: {  	v1 =	vld [tilespmem:s17+$0x14830];
	_ =	sdelay $0x7  }
0x5a: {  	[tilespmem:v1+s25+$0x0] =	vst.idx.add.f32.msk $0xffff, v0  }
0x5b: {  	v1 =	vld [tilespmem:s17+$0x14840];
	_ =	sdelay $0x7  }
0x5c: {  	[tilespmem:v1+s25+$0x0] =	vst.idx.add.f32.msk $0xffff, v0  }
0x5d: {  	v1 =	vld [tilespmem:s17+$0x14850];
	_ =	sdelay $0x7  }
0x5e: {  	[tilespmem:v1+s25+$0x0] =	vst.idx.add.f32.msk $0xffff, v0  }
0x5f: {  	v1 =	vld [tilespmem:s17+$0x14860];
	_ =	sdelay $0x7  }
0x60: {  	[tilespmem:v1+s25+$0x0] =	vst.idx.add.f32.msk $0xffff, v0  }
0x61: {  	v1 =	vld [tilespmem:s17+$0x14870];
	_ =	sdelay $0x7  }
0x62: {  	[tilespmem:v1+s25+$0x0] =	vst.idx.add.f32.msk $0xffff, v0  }
0x63: {  	_ =	swait.ge [sflag:s31], $0x4000  }
0x64: {  	[sflag:s31] =	ssyncset.done $0x0  }
0x65: {  	s18 =	sadd.s32 $0x14880, s17;
	[sflag:s31] =	ssyncadd.s32 $0xFFFFC000  }
0x66: {  	[spmem:s3] =	stream.indirect.scatter.add.f32 [tilespmem:s24], [sflag:$0x4], $0x80, s18, s29, $0xb8;
	[tilespmem:$0x1F800] =	vst v63  }
0x67: {  	v1 =	vld [tilespmem:s17+$0x14880];
	_ =	sdelay $0x7  }
0x68: {  	[tilespmem:v1+s25+$0x0] =	vst.idx.add.f32.msk $0xffff, v0  }
0x69: {  	v1 =	vld [tilespmem:s17+$0x14890];
	_ =	sdelay $0x7  }
0x6a: {  	[tilespmem:v1+s25+$0x0] =	vst.idx.add.f32.msk $0xffff, v0  }
0x6b: {  	v1 =	vld [tilespmem:s17+$0x148A0];
	_ =	sdelay $0x7  }
0x6c: {  	[tilespmem:v1+s25+$0x0] =	vst.idx.add.f32.msk $0xffff, v0  }
0x6d: {  	v1 =	vld [tilespmem:s17+$0x148B0];
	_ =	sdelay $0x7  }
0x6e: {  	[tilespmem:v1+s25+$0x0] =	vst.idx.add.f32.msk $0xffff, v0  }
0x6f: {  	v1 =	vld [tilespmem:s17+$0x148C0];
	_ =	sdelay $0x7  }
0x70: {  	[tilespmem:v1+s25+$0x0] =	vst.idx.add.f32.msk $0xffff, v0  }
0x71: {  	v1 =	vld [tilespmem:s17+$0x148D0];
	_ =	sdelay $0x7  }
0x72: {  	[tilespmem:v1+s25+$0x0] =	vst.idx.add.f32.msk $0xffff, v0  }
0x73: {  	v1 =	vld [tilespmem:s17+$0x148E0];
	_ =	sdelay $0x7  }
0x74: {  	[tilespmem:v1+s25+$0x0] =	vst.idx.add.f32.msk $0xffff, v0  }
0x75: {  	v1 =	vld [tilespmem:s17+$0x148F0];
	_ =	sdelay $0x7  }
0x76: {  	[tilespmem:v1+s25+$0x0] =	vst.idx.add.f32.msk $0xffff, v0  }
0x77: {  	p0 =	sne.s32 s16, $0x1C00;
	_ =	swait.ge [sflag:s0], $0x4000  }
.Ltmp0:
0x78: {  	[sflag:s0] =	ssyncset.done $0x0;
	(pc) =	sbr.rel @p0 .LBB2_3-.Ltmp0, $4  }
0x79: {  	[sflag:s0] =	ssyncadd.s32 $0xFFFFC000  }
0x7a: {  	_ =	swait.ge [sflag:s4], $0x4000  }
0x7b: {  	[sflag:s4] =	ssyncset.done $0x0  }
0x7c: {  	s16 =	sadd.s32 $0x400, s16;
	[sflag:s4] =	ssyncadd.s32 $0xFFFFC000  }
0x7d: {  	s15 =	sadd.s32 $0x1, s15  }
0x7e: {  	p0 =	sne.s32 s15, $0x5  }
.Ltmp1:
0x7f: {  	_ = 	snop;
	(pc) =	sbr.rel @p0 .LBB2_2-.Ltmp1, $1  }
0x80: {  	_ =	sdelay $0x3  }
0x81: {  	[bflag:$0x0] =	sbarrier.arrive $0xFFFF  }
0x82: {  	[tilespmem:s22], [sflag:$0x5] =	stream.linear.gather [spmem:s9], $0x4000, $0x38;
	[tilespmem:$0x1F800] =	vst v63  }
0x83: {  	_ =	swait.ge [sflag:s23], $0x4000  }
0x84: {  	[sflag:s23] =	ssyncset.done $0x0  }
0x85: {  	s15 =	rddreg [dreg:$0x6];
	[sflag:s23] =	ssyncadd.s32 $0xFFFFC000  }
0x86: {  	[hbm4b:s15+s5] =	stream.linear.scatter [tilespmem:s22], [sflag:$0x5], $0x4000, $0x38;
	[tilespmem:$0x1F800] =	vst v63  }
0x87: {  	_ =	swait.ge [sflag:s23], $0x4000  }
0x88: {  	[sflag:s23] =	ssyncset.done $0x0  }
0x89: {  	[sflag:s23] =	ssyncadd.s32 $0xFFFFC000  }
0x8a: {  	[tilespmem:s24], [sflag:$0x5] =	stream.linear.gather [spmem:s10], $0x4000, $0x38;
	[tilespmem:$0x1F800] =	vst v63  }
0x8b: {  	_ =	swait.ge [sflag:s23], $0x4000  }
0x8c: {  	[sflag:s23] =	ssyncset.done $0x0  }
0x8d: {  	s18 =	rddreg [dreg:$0x7];
	[sflag:s23] =	ssyncadd.s32 $0xFFFFC000  }
0x8e: {  	[hbm4b:s18+s5] =	stream.linear.scatter [tilespmem:s24], [sflag:$0x5], $0x4000, $0x38;
	[tilespmem:$0x1F800] =	vst v63  }
0x8f: {  	_ =	swait.ge [sflag:s23], $0x4000  }
0x90: {  	[sflag:s23] =	ssyncset.done $0x0  }
0x91: {  	[sflag:s23] =	ssyncadd.s32 $0xFFFFC000  }
0x92: {  	[tilespmem:s22], [sflag:$0x5] =	stream.linear.gather [spmem:s11], $0x4000, $0x38;
	[tilespmem:$0x1F800] =	vst v63  }
0x93: {  	_ =	swait.ge [sflag:s23], $0x4000  }
0x94: {  	[sflag:s23] =	ssyncset.done $0x0  }
0x95: {  	s16 =	rddreg [dreg:$0x8];
	[sflag:s23] =	ssyncadd.s32 $0xFFFFC000  }
0x96: {  	[hbm4b:s16+s5] =	stream.linear.scatter [tilespmem:s22], [sflag:$0x5], $0x4000, $0x38;
	[tilespmem:$0x1F800] =	vst v63  }
0x97: {  	_ =	swait.ge [sflag:s23], $0x4000  }
0x98: {  	[sflag:s23] =	ssyncset.done $0x0  }
0x99: {  	[sflag:s23] =	ssyncadd.s32 $0xFFFFC000  }
0x9a: {  	[tilespmem:s24], [sflag:$0x5] =	stream.linear.gather [spmem:s12], $0x4000, $0x38;
	[tilespmem:$0x1F800] =	vst v63  }
0x9b: {  	_ =	swait.ge [sflag:s23], $0x4000  }
0x9c: {  	[sflag:s23] =	ssyncset.done $0x0  }
0x9d: {  	s17 =	rddreg [dreg:$0x9];
	[sflag:s23] =	ssyncadd.s32 $0xFFFFC000  }
0x9e: {  	[hbm4b:s17+s5] =	stream.linear.scatter [tilespmem:s24], [sflag:$0x5], $0x4000, $0x38;
	[tilespmem:$0x1F800] =	vst v63  }
0x9f: {  	_ =	swait.ge [sflag:s23], $0x4000  }
0xa0: {  	[sflag:s23] =	ssyncset.done $0x0  }
0xa1: {  	[sflag:s23] =	ssyncadd.s32 $0xFFFFC000  }
0xa2: {  	[tilespmem:s22], [sflag:$0x5] =	stream.linear.gather [spmem:s13], $0x4000, $0x38;
	[tilespmem:$0x1F800] =	vst v63  }
0xa3: {  	_ =	swait.ge [sflag:s23], $0x4000  }
0xa4: {  	[sflag:s23] =	ssyncset.done $0x0  }
0xa5: {  	[sflag:s23] =	ssyncadd.s32 $0xFFFFC000  }
0xa6: {  	[hbm4b:s19+s5] =	stream.linear.scatter [tilespmem:s22], [sflag:$0x5], $0x4000, $0x38;
	[tilespmem:$0x1F800] =	vst v63  }
0xa7: {  	s8 =	sadd.s32 $0x1, s8;
	_ =	swait.ge [sflag:s23], $0x4000  }
0xa8: {  	p0 =	sne.s32 s8, s21;
	[sflag:s23] =	ssyncset.done $0x0  }
.Ltmp2:
0xa9: {  	s18 =	simm.s32 $0x400;
	[sflag:s23] =	ssyncadd.s32 $0xFFFFC000;
	(pc) =	sbr.rel @p0 .LBB2_1-.Ltmp2, $4  }
0xaa: {  	[hbm4b:s20+s29] =	stream.strided.scatter [tilespmem:s25], [sflag:$0x5], $0x2800, s18, s29, $0x38;
	[tilespmem:$0x1F800] =	vst v63  }
0xab: {  	_ =	swait.ge [sflag:s23], $0x2800  }
0xac: {  	[sflag:s23] =	ssyncset.done $0x0  }
0xad: {  	[sflag:s23] =	ssyncadd.s32 $0xFFFFD800  }
0xae: {  	_ =	sfence.sel $0x180000  }
0xaf: {  	[bflag:$0x0] =	sbarrier.arrive $0xFFFF  }
0xb0: {  	_ =	strace $0x90000047  }
0xb1: {  	s0 =	stileid.u32;
	[bflag:$0x2] =	sbarrier.arrive $0xFFFF  }
0xb2: {  	p0 =	sne.s32 s0, $0x0;
	s0 =	rddreg [dreg:$0x4]  }
0xb3: {  	s0 =	sadd.s32 @!p0 $0x100000, s0  }
0xb4: {  	[sflag:s0] =	ssyncadd.tile.s32 @!p0 $0x1;
	_ =	shalt  }
.Lfunc_end2:
_tile_overlayer_lowered:
.L_overlay_start_2:
0xb5: {  	(tag) =	ssettag $0x2  }
0xb6: {  	s0 =	rddreg [dreg:$0x0];
	s2 =	stileid.u32  }
0xb7: {  	s1 =	rddreg [dreg:$0x1];
	p0 =	sne.s32 s2, $0x0  }
0xb8: {  	s3 =	rddreg [dreg:$0x2];
	[bflag:$0x3] =	sbarrier.arrive $0xFFFF;
	s2 =	simm.s32 @!p0 $0x1C05  }
0xb9: {  	[timem:s3], [sflag:s2] =	dma.local @!p0 [hbm:s0], s1  }
0xba: {  	s0 =	simm.s32 @!p0 $0x5  }
0xbb: {  	_ =	swait.ge @!p0 [sflag:s0], s1  }
0xbc: {  	s1 =	ssub.s32 @!p0 $0x0, s1;
	[sflag:s0] =	ssyncset.done @!p0 $0x0  }
0xbd: {  	[sflag:s0] =	ssyncadd.s32 @!p0 s1  }
0xbe: {  	[bflag:$0x3] =	sbarrier.arrive $0xFFFF  }
0xbf: {  	_ =	shalt  }

</sc_bundles>
